<compile_context>
chip_gen: v7x
topology: tpu7x:2x2x1
jax: 0.10.2.dev20260603
libtpu: 0.0.44.dev20260713+nightly
codegen_flags: <defaults>
</compile_context>

<pallas_src>
import functools

import jax
import jax.numpy as jnp
from jax import lax
from jax.experimental import pallas as pl
from jax.experimental.pallas import tpu as pltpu
from jax.experimental.pallas import tpu_sc as plsc

N_NODES = 10000
N_EDGES = 320000
D = 128
NC = 2
NS = 16
HALF = N_NODES // NC
TRASH = 64
ACC_R = HALF + TRASH
CH = 125
EPT = N_EDGES // NS
NCHUNK = EPT // CH
WB = 5
WBR = HALF // WB

_sc_mesh = plsc.VectorSubcoreMesh(core_axis_name="c", subcore_axis_name="s")


def _hist_body(hidx, ones, zeros, out, h0_v, h1_v, ones_v, acc_sh):
    cid = lax.axis_index("c")
    sid = lax.axis_index("s")
    pltpu.sync_copy(hidx.at[0, cid, sid], h0_v)
    pltpu.sync_copy(hidx.at[1, cid, sid], h1_v)
    pltpu.sync_copy(ones, ones_v)

    for j, h_v in ((0, h0_v), (1, h1_v)):
        @pl.when(sid == 0)
        def _():
            pltpu.sync_copy(zeros, acc_sh)

        plsc.subcore_barrier()

        def body(c, carry, h_v=h_v):
            pltpu.sync_copy(ones_v, acc_sh.at[h_v.at[c]], add=True)
            return carry

        lax.fori_loop(0, NCHUNK, body, 0)
        plsc.subcore_barrier()

        @pl.when(sid < WB)
        def _():
            pltpu.sync_copy(
                acc_sh.at[pl.ds(sid * WBR, WBR)],
                out.at[j, pl.ds(cid * HALF + sid * WBR, WBR)],
            )

        plsc.subcore_barrier()


_hist = functools.partial(
    pl.kernel,
    out_type=jax.ShapeDtypeStruct((2, N_NODES, D), jnp.float32),
    mesh=_sc_mesh,
    scratch_types=[
        pltpu.VMEM((NCHUNK, CH), jnp.int32),
        pltpu.VMEM((NCHUNK, CH), jnp.int32),
        pltpu.VMEM((CH, D), jnp.float32),
        pltpu.VMEM_SHARED((ACC_R, D), jnp.float32),
    ],
)(_hist_body)


def _agg_body(z, gidx, sidx, zeros, out, g_v, s_v, buf0, buf1, sem0, sem1,
              acc_sh):
    cid = lax.axis_index("c")
    sid = lax.axis_index("s")
    pltpu.sync_copy(gidx.at[sid], g_v)
    pltpu.sync_copy(sidx.at[cid, sid], s_v)

    @pl.when(sid == 0)
    def _():
        pltpu.sync_copy(zeros, acc_sh)

    plsc.subcore_barrier()

    pltpu.async_copy(z.at[g_v.at[0]], buf0, sem0)

    def body(c0, carry):
        pltpu.async_copy(z.at[g_v.at[c0 + 1]], buf1, sem1)
        pltpu.make_async_copy(z.at[g_v.at[c0]], buf0, sem0).wait()
        pltpu.sync_copy(buf0, acc_sh.at[s_v.at[c0]], add=True)

        @pl.when(c0 + 2 < NCHUNK)
        def _():
            pltpu.async_copy(z.at[g_v.at[c0 + 2]], buf0, sem0)

        pltpu.make_async_copy(z.at[g_v.at[c0 + 1]], buf1, sem1).wait()
        pltpu.sync_copy(buf1, acc_sh.at[s_v.at[c0 + 1]], add=True)
        return carry

    lax.fori_loop(0, NCHUNK // 2, lambda i, c: body(i * 2, c), 0)
    plsc.subcore_barrier()

    @pl.when(sid < WB)
    def _():
        pltpu.sync_copy(
            acc_sh.at[pl.ds(sid * WBR, WBR)],
            out.at[pl.ds(cid * HALF + sid * WBR, WBR)],
        )


_agg = functools.partial(
    pl.kernel,
    out_type=jax.ShapeDtypeStruct((N_NODES, D), jnp.float32),
    mesh=_sc_mesh,
    scratch_types=[
        pltpu.VMEM((NCHUNK, CH), jnp.int32),
        pltpu.VMEM((NCHUNK, CH), jnp.int32),
        pltpu.VMEM((CH, D), jnp.float32),
        pltpu.VMEM((CH, D), jnp.float32),
        pltpu.SemaphoreType.DMA,
        pltpu.SemaphoreType.DMA,
        pltpu.VMEM_SHARED((ACC_R, D), jnp.float32),
    ],
)(_agg_body)


def _norm(hist_blk):
    deg = hist_blk[:, :1]
    return jnp.where(deg > 0, lax.rsqrt(jnp.maximum(deg, 1.0)), 0.0)


_RB = 1000


def _mm1_body(x_ref, dego_ref, w_ref, z_ref):
    z_ref[...] = jnp.dot(x_ref[...] * _norm(dego_ref[...]), w_ref[...],
                         preferred_element_type=jnp.float32)


_mm1 = pl.pallas_call(
    _mm1_body,
    grid=(N_NODES // _RB,),
    in_specs=[
        pl.BlockSpec((_RB, D), lambda i: (i, 0)),
        pl.BlockSpec((_RB, D), lambda i: (i, 0)),
        pl.BlockSpec((D, D), lambda i: (0, 0)),
    ],
    out_specs=pl.BlockSpec((_RB, D), lambda i: (i, 0)),
    out_shape=jax.ShapeDtypeStruct((N_NODES, D), jnp.float32),
)


def _mm2_body(agg_ref, degi_ref, dego_ref, w_ref, b_ref, z_ref):
    h = jnp.maximum(agg_ref[...] * _norm(degi_ref[...]) + b_ref[...], 0.0)
    z_ref[...] = jnp.dot(h * _norm(dego_ref[...]), w_ref[...],
                         preferred_element_type=jnp.float32)


_mm2 = pl.pallas_call(
    _mm2_body,
    grid=(N_NODES // _RB,),
    in_specs=[
        pl.BlockSpec((_RB, D), lambda i: (i, 0)),
        pl.BlockSpec((_RB, D), lambda i: (i, 0)),
        pl.BlockSpec((_RB, D), lambda i: (i, 0)),
        pl.BlockSpec((D, D), lambda i: (0, 0)),
        pl.BlockSpec((1, D), lambda i: (0, 0)),
    ],
    out_specs=pl.BlockSpec((_RB, D), lambda i: (i, 0)),
    out_shape=jax.ShapeDtypeStruct((N_NODES, D), jnp.float32),
)


def _out_body(agg_ref, degi_ref, b_ref, o_ref):
    o_ref[...] = jnp.maximum(agg_ref[...] * _norm(degi_ref[...]) + b_ref[...],
                             0.0)


_outk = pl.pallas_call(
    _out_body,
    grid=(N_NODES // _RB,),
    in_specs=[
        pl.BlockSpec((_RB, D), lambda i: (i, 0)),
        pl.BlockSpec((_RB, D), lambda i: (i, 0)),
        pl.BlockSpec((1, D), lambda i: (0, 0)),
    ],
    out_specs=pl.BlockSpec((_RB, D), lambda i: (i, 0)),
    out_shape=jax.ShapeDtypeStruct((N_NODES, D), jnp.float32),
)


def kernel(x, edge_index, W1, b1, W2, b2):
    e = edge_index.astype(jnp.int32)
    src, dst = e[0], e[1]
    rot = jnp.arange(N_EDGES, dtype=jnp.int32) % TRASH + HALF

    def clamp_halves(idx):
        lo = jnp.where(idx < HALF, idx, rot)
        hi = jnp.where(idx >= HALF, idx - HALF, rot)
        return jnp.stack([lo, hi]).reshape(NC, NS, NCHUNK, CH)

    sidx = clamp_halves(dst)
    hidx = jnp.stack([clamp_halves(src), sidx])
    gidx = src.reshape(NS, NCHUNK, CH)
    ones = jnp.ones((CH, D), jnp.float32)
    zeros = jnp.zeros((ACC_R, D), jnp.float32)

    deg = _hist(hidx, ones, zeros)
    dego, degi = deg[0], deg[1]

    z1 = _mm1(x, dego, W1)
    agg1 = _agg(z1, gidx, sidx, zeros)
    z2 = _mm2(agg1, degi, dego, W2, b1.reshape(1, D))
    agg2 = _agg(z2, gidx, sidx, zeros)
    return _outk(agg2, degi, b2.reshape(1, D))

# --- scband reference (transcript-rebuilt; emitter-appended) ---
"""Pipeline reference for scband-stochastic-two-layer-gcn-4793183502743 (READ-ONLY COPY).

The authoritative reference and input builder live on the scoring server;
editing this copy changes nothing except your own understanding.
"""

import jax, jax.numpy as jnp
import numpy as np

N_NODES = 10000
N_EDGES = 320000
D_IN = 128
D_HID = 128
D_OUT = 128


def setup_inputs(seed: int = 0) -> dict:
    key = jax.random.key(seed)
    k_x, k_e, k_w1, k_w2 = jax.random.split(key, 4)
    x = jax.random.normal(k_x, (N_NODES, D_IN), dtype=jnp.float32)
    edge_index = jax.random.randint(k_e, (2, N_EDGES), 0, N_NODES, dtype=jnp.int64)
    # GraphConv weights (DGL GraphConv: h = norm_agg(x) @ W + b)
    W1 = jax.random.normal(k_w1, (D_IN, D_HID), dtype=jnp.float32) * (1.0 / np.sqrt(D_IN))
    b1 = jnp.zeros((D_HID,), dtype=jnp.float32)
    W2 = jax.random.normal(k_w2, (D_HID, D_OUT), dtype=jnp.float32) * (1.0 / np.sqrt(D_HID))
    b2 = jnp.zeros((D_OUT,), dtype=jnp.float32)
    return {"x": x, "edge_index": edge_index, "W1": W1, "b1": b1, "W2": W2, "b2": b2}


def _graph_conv(x, src, dst, W, b, n_nodes):
    # DGL GraphConv with norm='both': D_dst^{-1/2} A D_src^{-1/2} X W + b
    ones = jnp.ones((src.shape[0],), dtype=jnp.float32)
    deg_out = jax.ops.segment_sum(ones, src, num_segments=n_nodes)
    deg_in = jax.ops.segment_sum(ones, dst, num_segments=n_nodes)
    norm_src = jnp.where(deg_out > 0, jax.lax.rsqrt(jnp.maximum(deg_out, 1.0)), 0.0)
    norm_dst = jnp.where(deg_in > 0, jax.lax.rsqrt(jnp.maximum(deg_in, 1.0)), 0.0)
    msg = x[src] * norm_src[src][:, None]            # gather + scale
    agg = jax.ops.segment_sum(msg, dst, num_segments=n_nodes)  # scatter-add
    h = agg * norm_dst[:, None]
    return h @ W + b


def reference(x, edge_index, W1, b1, W2, b2):
    n_nodes = x.shape[0]
    src = edge_index[0]
    dst = edge_index[1]
    # layer 1 (the torch forward reuses blocks[0] for every layer)
    h = jax.nn.relu(_graph_conv(x, src, dst, W1, b1, n_nodes))
    # layer 2
    h = jax.nn.relu(_graph_conv(h, src, dst, W2, b2, n_nodes))
    return h

if __name__ == "__main__":
    import jax
    _d = setup_inputs()
    print(jax.jit(kernel)(*tuple(_d.values())))

</pallas_src>

<mosaic_0001>
#map = affine_map<(d0, d1) -> (0, 0)>
#map1 = affine_map<(d0, d1) -> (0, 0, 0)>
#map2 = affine_map<(d0, d1) -> (0, 0, 0, 0)>
module attributes {stable_mosaic.version = 14 : i64} {
  func.func @_agg_body(%arg0: i32, %arg1: i32, %arg2: memref<10000x128xf32, #tpu.memory_space<hbm>>, %arg3: memref<16x160x125xi32, #tpu.memory_space<hbm>>, %arg4: memref<2x16x160x125xi32, #tpu.memory_space<hbm>>, %arg5: memref<5064x128xf32, #tpu.memory_space<hbm>>, %arg6: memref<10000x128xf32, #tpu.memory_space<hbm>>, %arg7: memref<160x125xi32, #tpu.memory_space<vmem>>, %arg8: memref<160x125xi32, #tpu.memory_space<vmem>>, %arg9: memref<125x128xf32, #tpu.memory_space<vmem>>, %arg10: memref<125x128xf32, #tpu.memory_space<vmem>>, %arg11: memref<!tpu.dma_semaphore, #tpu.memory_space<semaphore_mem>>, %arg12: memref<!tpu.dma_semaphore, #tpu.memory_space<semaphore_mem>>, %arg13: memref<5064x128xf32, #tpu.memory_space<vmem_shared>>) attributes {dimension_semantics = [#tpu.dimension_semantics<core_parallel>, #tpu.dimension_semantics<subcore_parallel>], iteration_bounds = array<i64: 2, 16>, scalar_prefetch = 0 : i64, scratch_operands = 7 : i64, tpu.core_type = #tpu.core_type<sc_vector_subcore>, window_params = [{transform_indices = #map}, {transform_indices = #map1}, {transform_indices = #map2}, {transform_indices = #map}, {transform_indices = #map}]} {
    "tpu.region"() ({
      %run_scoped3A = tpu.sem_alloc : memref<!tpu.dma_semaphore, #tpu.memory_space<semaphore_mem>>
      %dma_start3A_18 = arith.constant 0 : i32
      %dma_start3A_19 = arith.constant 0 : i32
      %dma_start3A_20 = tpu.memref_slice %arg3[%arg1, %dma_start3A_18, %dma_start3A_19] : memref<16x160x125xi32, #tpu.memory_space<hbm>> -> memref<1x160x125xi32, #tpu.memory_space<hbm>>
      %dma_start3A_21 = tpu.memref_squeeze %dma_start3A_20 : memref<1x160x125xi32, #tpu.memory_space<hbm>> -> memref<160x125xi32, #tpu.memory_space<hbm>>
      %dma_start3A_22 = arith.constant 0 : i32
      %dma_start3A_23 = arith.constant 0 : i32
      %dma_start3A_24 = tpu.memref_slice %arg3[%arg1, %dma_start3A_22, %dma_start3A_23] : memref<16x160x125xi32, #tpu.memory_space<hbm>> -> memref<1x160x125xi32, #tpu.memory_space<hbm>>
      %dma_start3A_25 = tpu.memref_squeeze %dma_start3A_24 : memref<1x160x125xi32, #tpu.memory_space<hbm>> -> memref<160x125xi32, #tpu.memory_space<hbm>>
      tpu.enqueue_dma source(%dma_start3A_25 : memref<160x125xi32, #tpu.memory_space<hbm>>) target(%arg7 : memref<160x125xi32, #tpu.memory_space<vmem>>) target_semaphore(%run_scoped3A : memref<!tpu.dma_semaphore, #tpu.memory_space<semaphore_mem>>)
      %dma_wait3A = arith.constant 0 : i32
      %dma_wait3A_26 = arith.constant 0 : i32
      %dma_wait3A_27 = tpu.memref_slice %arg3[%arg1, %dma_wait3A, %dma_wait3A_26] : memref<16x160x125xi32, #tpu.memory_space<hbm>> -> memref<1x160x125xi32, #tpu.memory_space<hbm>>
      %dma_wait3A_28 = tpu.memref_squeeze %dma_wait3A_27 : memref<1x160x125xi32, #tpu.memory_space<hbm>> -> memref<160x125xi32, #tpu.memory_space<hbm>>
      %dma_wait3A_29 = arith.constant 0 : i32
      %dma_wait3A_30 = arith.constant 0 : i32
      %dma_wait3A_31 = tpu.memref_slice %arg3[%arg1, %dma_wait3A_29, %dma_wait3A_30] : memref<16x160x125xi32, #tpu.memory_space<hbm>> -> memref<1x160x125xi32, #tpu.memory_space<hbm>>
      %dma_wait3A_32 = tpu.memref_squeeze %dma_wait3A_31 : memref<1x160x125xi32, #tpu.memory_space<hbm>> -> memref<160x125xi32, #tpu.memory_space<hbm>>
      tpu.wait_dma2 semaphore(%run_scoped3A : memref<!tpu.dma_semaphore, #tpu.memory_space<semaphore_mem>>) src(%dma_wait3A_32 : memref<160x125xi32, #tpu.memory_space<hbm>>) dst(%arg7 : memref<160x125xi32, #tpu.memory_space<vmem>>)
      tpu.yield
    }) : () -> ()
    "tpu.region"() ({
      %run_scoped3A = tpu.sem_alloc : memref<!tpu.dma_semaphore, #tpu.memory_space<semaphore_mem>>
      %dma_start3A_18 = arith.constant 0 : i32
      %dma_start3A_19 = arith.constant 0 : i32
      %dma_start3A_20 = tpu.memref_slice %arg4[%arg0, %arg1, %dma_start3A_18, %dma_start3A_19] : memref<2x16x160x125xi32, #tpu.memory_space<hbm>> -> memref<1x1x160x125xi32, #tpu.memory_space<hbm>>
      %dma_start3A_21 = tpu.memref_squeeze %dma_start3A_20 : memref<1x1x160x125xi32, #tpu.memory_space<hbm>> -> memref<160x125xi32, #tpu.memory_space<hbm>>
      %dma_start3A_22 = arith.constant 0 : i32
      %dma_start3A_23 = arith.constant 0 : i32
      %dma_start3A_24 = tpu.memref_slice %arg4[%arg0, %arg1, %dma_start3A_22, %dma_start3A_23] : memref<2x16x160x125xi32, #tpu.memory_space<hbm>> -> memref<1x1x160x125xi32, #tpu.memory_space<hbm>>
      %dma_start3A_25 = tpu.memref_squeeze %dma_start3A_24 : memref<1x1x160x125xi32, #tpu.memory_space<hbm>> -> memref<160x125xi32, #tpu.memory_space<hbm>>
      tpu.enqueue_dma source(%dma_start3A_25 : memref<160x125xi32, #tpu.memory_space<hbm>>) target(%arg8 : memref<160x125xi32, #tpu.memory_space<vmem>>) target_semaphore(%run_scoped3A : memref<!tpu.dma_semaphore, #tpu.memory_space<semaphore_mem>>)
      %dma_wait3A = arith.constant 0 : i32
      %dma_wait3A_26 = arith.constant 0 : i32
      %dma_wait3A_27 = tpu.memref_slice %arg4[%arg0, %arg1, %dma_wait3A, %dma_wait3A_26] : memref<2x16x160x125xi32, #tpu.memory_space<hbm>> -> memref<1x1x160x125xi32, #tpu.memory_space<hbm>>
      %dma_wait3A_28 = tpu.memref_squeeze %dma_wait3A_27 : memref<1x1x160x125xi32, #tpu.memory_space<hbm>> -> memref<160x125xi32, #tpu.memory_space<hbm>>
      %dma_wait3A_29 = arith.constant 0 : i32
      %dma_wait3A_30 = arith.constant 0 : i32
      %dma_wait3A_31 = tpu.memref_slice %arg4[%arg0, %arg1, %dma_wait3A_29, %dma_wait3A_30] : memref<2x16x160x125xi32, #tpu.memory_space<hbm>> -> memref<1x1x160x125xi32, #tpu.memory_space<hbm>>
      %dma_wait3A_32 = tpu.memref_squeeze %dma_wait3A_31 : memref<1x1x160x125xi32, #tpu.memory_space<hbm>> -> memref<160x125xi32, #tpu.memory_space<hbm>>
      tpu.wait_dma2 semaphore(%run_scoped3A : memref<!tpu.dma_semaphore, #tpu.memory_space<semaphore_mem>>) src(%dma_wait3A_32 : memref<160x125xi32, #tpu.memory_space<hbm>>) dst(%arg8 : memref<160x125xi32, #tpu.memory_space<vmem>>)
      tpu.yield
    }) : () -> ()
    %eq3A = arith.constant 0 : i32
    %eq3A_0 = arith.cmpi eq, %arg1, %eq3A : i32
    %convert_element_type3A = arith.extui %eq3A_0 : i1 to i32
    %cond3A = arith.constant 0 : i32
    %cond3A_1 = arith.cmpi ne, %convert_element_type3A, %cond3A : i32
    scf.if %cond3A_1 {
      "tpu.region"() ({
        %run_scoped3A = tpu.sem_alloc : memref<!tpu.dma_semaphore, #tpu.memory_space<semaphore_mem>>
        tpu.enqueue_dma source(%arg5 : memref<5064x128xf32, #tpu.memory_space<hbm>>) target(%arg13 : memref<5064x128xf32, #tpu.memory_space<vmem_shared>>) target_semaphore(%run_scoped3A : memref<!tpu.dma_semaphore, #tpu.memory_space<semaphore_mem>>)
        tpu.wait_dma2 semaphore(%run_scoped3A : memref<!tpu.dma_semaphore, #tpu.memory_space<semaphore_mem>>) src(%arg5 : memref<5064x128xf32, #tpu.memory_space<hbm>>) dst(%arg13 : memref<5064x128xf32, #tpu.memory_space<vmem_shared>>)
        tpu.yield
      }) : () -> ()
    } else {
    }
    %barrier3A = arith.constant 0 : index
    tpu.barrier barrier_id(%barrier3A)
    %dma_start3A = arith.constant 0 : i32
    %dma_start3A_2 = arith.constant 0 : i32
    %dma_start3A_3 = tpu.memref_slice %arg7[%dma_start3A, %dma_start3A_2] : memref<160x125xi32, #tpu.memory_space<vmem>> -> memref<1x125xi32, #tpu.memory_space<vmem>>
    %dma_start3A_4 = tpu.memref_squeeze %dma_start3A_3 : memref<1x125xi32, #tpu.memory_space<vmem>> -> memref<125xi32, #tpu.memory_space<vmem>>
    %dma_start3A_5 = arith.constant 0 : i32
    %dma_start3A_6 = arith.constant 0 : i32
    %dma_start3A_7 = tpu.memref_slice %arg2[%dma_start3A_5, %dma_start3A_6] : memref<10000x128xf32, #tpu.memory_space<hbm>> -> memref<10000x128xf32, #tpu.memory_space<hbm>>
    tpu.enqueue_indirect_dma source(%dma_start3A_7 : memref<10000x128xf32, #tpu.memory_space<hbm>>) target(%arg9 : memref<125x128xf32, #tpu.memory_space<vmem>>) offsets(%dma_start3A_4 : memref<125xi32, #tpu.memory_space<vmem>>) semaphore(%arg11 : memref<!tpu.dma_semaphore, #tpu.memory_space<semaphore_mem>>)
    %scan3A = arith.constant 0 : i32
    %scan3A_8 = arith.constant 0 : i32
    %scan3A_9 = arith.constant 80 : i32
    %scan3A_10 = arith.addi %scan3A_8, %scan3A_9 : i32
    %scan3A_11 = arith.constant 1 : i32
    scf.for %scan3A_18 = %scan3A_8 to %scan3A_10 step %scan3A_11  : i32 {
      %mul3A = arith.constant 2 : i32
      %mul3A_19 = arith.muli %scan3A_18, %mul3A : i32
      %add3A = arith.constant 1 : i32
      %add3A_20 = arith.addi %mul3A_19, %add3A : i32
      %dma_start3A_21 = arith.constant 0 : i32
      %dma_start3A_22 = tpu.memref_slice %arg7[%add3A_20, %dma_start3A_21] : memref<160x125xi32, #tpu.memory_space<vmem>> -> memref<1x125xi32, #tpu.memory_space<vmem>>
      %dma_start3A_23 = tpu.memref_squeeze %dma_start3A_22 : memref<1x125xi32, #tpu.memory_space<vmem>> -> memref<125xi32, #tpu.memory_space<vmem>>
      %dma_start3A_24 = arith.constant 0 : i32
      %dma_start3A_25 = arith.constant 0 : i32
      %dma_start3A_26 = tpu.memref_slice %arg2[%dma_start3A_24, %dma_start3A_25] : memref<10000x128xf32, #tpu.memory_space<hbm>> -> memref<10000x128xf32, #tpu.memory_space<hbm>>
      tpu.enqueue_indirect_dma source(%dma_start3A_26 : memref<10000x128xf32, #tpu.memory_space<hbm>>) target(%arg10 : memref<125x128xf32, #tpu.memory_space<vmem>>) offsets(%dma_start3A_23 : memref<125xi32, #tpu.memory_space<vmem>>) semaphore(%arg12 : memref<!tpu.dma_semaphore, #tpu.memory_space<semaphore_mem>>)
      %dma_wait3A = arith.constant 0 : i32
      %dma_wait3A_27 = tpu.memref_slice %arg7[%mul3A_19, %dma_wait3A] : memref<160x125xi32, #tpu.memory_space<vmem>> -> memref<1x125xi32, #tpu.memory_space<vmem>>
      %dma_wait3A_28 = tpu.memref_squeeze %dma_wait3A_27 : memref<1x125xi32, #tpu.memory_space<vmem>> -> memref<125xi32, #tpu.memory_space<vmem>>
      %dma_wait3A_29 = arith.constant 0 : i32
      %dma_wait3A_30 = arith.constant 0 : i32
      %dma_wait3A_31 = tpu.memref_slice %arg2[%dma_wait3A_29, %dma_wait3A_30] : memref<10000x128xf32, #tpu.memory_space<hbm>> -> memref<10000x128xf32, #tpu.memory_space<hbm>>
      tpu.wait_indirect_dma semaphore(%arg11 : memref<!tpu.dma_semaphore, #tpu.memory_space<semaphore_mem>>) src(%dma_wait3A_31 : memref<10000x128xf32, #tpu.memory_space<hbm>>) dst(%arg9 : memref<125x128xf32, #tpu.memory_space<vmem>>)
      "tpu.region"() ({
        %run_scoped3A = tpu.sem_alloc : memref<!tpu.dma_semaphore, #tpu.memory_space<semaphore_mem>>
        %dma_start3A_49 = arith.constant 0 : i32
        %dma_start3A_50 = tpu.memref_slice %arg8[%mul3A_19, %dma_start3A_49] : memref<160x125xi32, #tpu.memory_space<vmem>> -> memref<1x125xi32, #tpu.memory_space<vmem>>
        %dma_start3A_51 = tpu.memref_squeeze %dma_start3A_50 : memref<1x125xi32, #tpu.memory_space<vmem>> -> memref<125xi32, #tpu.memory_space<vmem>>
        %dma_start3A_52 = arith.constant 0 : i32
        %dma_start3A_53 = arith.constant 0 : i32
        %dma_start3A_54 = tpu.memref_slice %arg13[%dma_start3A_52, %dma_start3A_53] : memref<5064x128xf32, #tpu.memory_space<vmem_shared>> -> memref<5064x128xf32, #tpu.memory_space<vmem_shared>>
        tpu.enqueue_indirect_dma source(%arg9 : memref<125x128xf32, #tpu.memory_space<vmem>>) target(%dma_start3A_54 : memref<5064x128xf32, #tpu.memory_space<vmem_shared>>) offsets(%dma_start3A_51 : memref<125xi32, #tpu.memory_space<vmem>>) semaphore(%run_scoped3A : memref<!tpu.dma_semaphore, #tpu.memory_space<semaphore_mem>>) {add = true}
        %dma_wait3A_55 = arith.constant 0 : i32
        %dma_wait3A_56 = tpu.memref_slice %arg8[%mul3A_19, %dma_wait3A_55] : memref<160x125xi32, #tpu.memory_space<vmem>> -> memref<1x125xi32, #tpu.memory_space<vmem>>
        %dma_wait3A_57 = tpu.memref_squeeze %dma_wait3A_56 : memref<1x125xi32, #tpu.memory_space<vmem>> -> memref<125xi32, #tpu.memory_space<vmem>>
        %dma_wait3A_58 = arith.constant 0 : i32
        %dma_wait3A_59 = arith.constant 0 : i32
        %dma_wait3A_60 = tpu.memref_slice %arg13[%dma_wait3A_58, %dma_wait3A_59] : memref<5064x128xf32, #tpu.memory_space<vmem_shared>> -> memref<5064x128xf32, #tpu.memory_space<vmem_shared>>
        tpu.wait_indirect_dma semaphore(%run_scoped3A : memref<!tpu.dma_semaphore, #tpu.memory_space<semaphore_mem>>) src(%arg9 : memref<125x128xf32, #tpu.memory_space<vmem>>) dst(%dma_wait3A_60 : memref<5064x128xf32, #tpu.memory_space<vmem_shared>>)
        tpu.yield
      }) : () -> ()
      %add3A_32 = arith.constant 2 : i32
      %add3A_33 = arith.addi %mul3A_19, %add3A_32 : i32
      %lt3A_34 = arith.constant 160 : i32
      %lt3A_35 = arith.cmpi slt, %add3A_33, %lt3A_34 : i32
      %convert_element_type3A_36 = arith.extui %lt3A_35 : i1 to i32
      %cond3A_37 = arith.constant 0 : i32
      %cond3A_38 = arith.cmpi ne, %convert_element_type3A_36, %cond3A_37 : i32
      scf.if %cond3A_38 {
        %add3A_49 = arith.constant 2 : i32
        %add3A_50 = arith.addi %mul3A_19, %add3A_49 : i32
        %dma_start3A_51 = arith.constant 0 : i32
        %dma_start3A_52 = tpu.memref_slice %arg7[%add3A_50, %dma_start3A_51] : memref<160x125xi32, #tpu.memory_space<vmem>> -> memref<1x125xi32, #tpu.memory_space<vmem>>
        %dma_start3A_53 = tpu.memref_squeeze %dma_start3A_52 : memref<1x125xi32, #tpu.memory_space<vmem>> -> memref<125xi32, #tpu.memory_space<vmem>>
        %dma_start3A_54 = arith.constant 0 : i32
        %dma_start3A_55 = arith.constant 0 : i32
        %dma_start3A_56 = tpu.memref_slice %arg2[%dma_start3A_54, %dma_start3A_55] : memref<10000x128xf32, #tpu.memory_space<hbm>> -> memref<10000x128xf32, #tpu.memory_space<hbm>>
        tpu.enqueue_indirect_dma source(%dma_start3A_56 : memref<10000x128xf32, #tpu.memory_space<hbm>>) target(%arg9 : memref<125x128xf32, #tpu.memory_space<vmem>>) offsets(%dma_start3A_53 : memref<125xi32, #tpu.memory_space<vmem>>) semaphore(%arg11 : memref<!tpu.dma_semaphore, #tpu.memory_space<semaphore_mem>>)
      } else {
      }
      %add3A_39 = arith.constant 1 : i32
      %add3A_40 = arith.addi %mul3A_19, %add3A_39 : i32
      %dma_wait3A_41 = arith.constant 0 : i32
      %dma_wait3A_42 = tpu.memref_slice %arg7[%add3A_40, %dma_wait3A_41] : memref<160x125xi32, #tpu.memory_space<vmem>> -> memref<1x125xi32, #tpu.memory_space<vmem>>
      %dma_wait3A_43 = tpu.memref_squeeze %dma_wait3A_42 : memref<1x125xi32, #tpu.memory_space<vmem>> -> memref<125xi32, #tpu.memory_space<vmem>>
      %dma_wait3A_44 = arith.constant 0 : i32
      %dma_wait3A_45 = arith.constant 0 : i32
      %dma_wait3A_46 = tpu.memref_slice %arg2[%dma_wait3A_44, %dma_wait3A_45] : memref<10000x128xf32, #tpu.memory_space<hbm>> -> memref<10000x128xf32, #tpu.memory_space<hbm>>
      tpu.wait_indirect_dma semaphore(%arg12 : memref<!tpu.dma_semaphore, #tpu.memory_space<semaphore_mem>>) src(%dma_wait3A_46 : memref<10000x128xf32, #tpu.memory_space<hbm>>) dst(%arg10 : memref<125x128xf32, #tpu.memory_space<vmem>>)
      %add3A_47 = arith.constant 1 : i32
      %add3A_48 = arith.addi %mul3A_19, %add3A_47 : i32
      "tpu.region"() ({
        %run_scoped3A = tpu.sem_alloc : memref<!tpu.dma_semaphore, #tpu.memory_space<semaphore_mem>>
        %dma_start3A_49 = arith.constant 0 : i32
        %dma_start3A_50 = tpu.memref_slice %arg8[%add3A_48, %dma_start3A_49] : memref<160x125xi32, #tpu.memory_space<vmem>> -> memref<1x125xi32, #tpu.memory_space<vmem>>
        %dma_start3A_51 = tpu.memref_squeeze %dma_start3A_50 : memref<1x125xi32, #tpu.memory_space<vmem>> -> memref<125xi32, #tpu.memory_space<vmem>>
        %dma_start3A_52 = arith.constant 0 : i32
        %dma_start3A_53 = arith.constant 0 : i32
        %dma_start3A_54 = tpu.memref_slice %arg13[%dma_start3A_52, %dma_start3A_53] : memref<5064x128xf32, #tpu.memory_space<vmem_shared>> -> memref<5064x128xf32, #tpu.memory_space<vmem_shared>>
        tpu.enqueue_indirect_dma source(%arg10 : memref<125x128xf32, #tpu.memory_space<vmem>>) target(%dma_start3A_54 : memref<5064x128xf32, #tpu.memory_space<vmem_shared>>) offsets(%dma_start3A_51 : memref<125xi32, #tpu.memory_space<vmem>>) semaphore(%run_scoped3A : memref<!tpu.dma_semaphore, #tpu.memory_space<semaphore_mem>>) {add = true}
        %dma_wait3A_55 = arith.constant 0 : i32
        %dma_wait3A_56 = tpu.memref_slice %arg8[%add3A_48, %dma_wait3A_55] : memref<160x125xi32, #tpu.memory_space<vmem>> -> memref<1x125xi32, #tpu.memory_space<vmem>>
        %dma_wait3A_57 = tpu.memref_squeeze %dma_wait3A_56 : memref<1x125xi32, #tpu.memory_space<vmem>> -> memref<125xi32, #tpu.memory_space<vmem>>
        %dma_wait3A_58 = arith.constant 0 : i32
        %dma_wait3A_59 = arith.constant 0 : i32
        %dma_wait3A_60 = tpu.memref_slice %arg13[%dma_wait3A_58, %dma_wait3A_59] : memref<5064x128xf32, #tpu.memory_space<vmem_shared>> -> memref<5064x128xf32, #tpu.memory_space<vmem_shared>>
        tpu.wait_indirect_dma semaphore(%run_scoped3A : memref<!tpu.dma_semaphore, #tpu.memory_space<semaphore_mem>>) src(%arg10 : memref<125x128xf32, #tpu.memory_space<vmem>>) dst(%dma_wait3A_60 : memref<5064x128xf32, #tpu.memory_space<vmem_shared>>)
        tpu.yield
      }) : () -> ()
    }
    %scan3A_12 = arith.constant 80 : i32
    %barrier3A_13 = arith.constant 0 : index
    tpu.barrier barrier_id(%barrier3A_13)
    %lt3A = arith.constant 5 : i32
    %lt3A_14 = arith.cmpi slt, %arg1, %lt3A : i32
    %convert_element_type3A_15 = arith.extui %lt3A_14 : i1 to i32
    %cond3A_16 = arith.constant 0 : i32
    %cond3A_17 = arith.cmpi ne, %convert_element_type3A_15, %cond3A_16 : i32
    scf.if %cond3A_17 {
      %mul3A = arith.constant 1000 : i32
      %mul3A_18 = arith.muli %arg1, %mul3A : i32
      %mul3A_19 = arith.constant 5000 : i32
      %mul3A_20 = arith.muli %arg0, %mul3A_19 : i32
      %mul3A_21 = arith.constant 1000 : i32
      %mul3A_22 = arith.muli %arg1, %mul3A_21 : i32
      %add3A = arith.addi %mul3A_20, %mul3A_22 : i32
      "tpu.region"() ({
        %run_scoped3A = tpu.sem_alloc : memref<!tpu.dma_semaphore, #tpu.memory_space<semaphore_mem>>
        %dma_start3A_23 = arith.constant 0 : i32
        %dma_start3A_24 = tpu.memref_slice %arg6[%add3A, %dma_start3A_23] : memref<10000x128xf32, #tpu.memory_space<hbm>> -> memref<1000x128xf32, #tpu.memory_space<hbm>>
        %dma_start3A_25 = arith.constant 0 : i32
        %dma_start3A_26 = tpu.memref_slice %arg13[%mul3A_18, %dma_start3A_25] : memref<5064x128xf32, #tpu.memory_space<vmem_shared>> -> memref<1000x128xf32, #tpu.memory_space<vmem_shared>>
        tpu.enqueue_dma source(%dma_start3A_26 : memref<1000x128xf32, #tpu.memory_space<vmem_shared>>) target(%dma_start3A_24 : memref<1000x128xf32, #tpu.memory_space<hbm>>) target_semaphore(%run_scoped3A : memref<!tpu.dma_semaphore, #tpu.memory_space<semaphore_mem>>)
        %dma_wait3A = arith.constant 0 : i32
        %dma_wait3A_27 = tpu.memref_slice %arg6[%add3A, %dma_wait3A] : memref<10000x128xf32, #tpu.memory_space<hbm>> -> memref<1000x128xf32, #tpu.memory_space<hbm>>
        %dma_wait3A_28 = arith.constant 0 : i32
        %dma_wait3A_29 = tpu.memref_slice %arg13[%mul3A_18, %dma_wait3A_28] : memref<5064x128xf32, #tpu.memory_space<vmem_shared>> -> memref<1000x128xf32, #tpu.memory_space<vmem_shared>>
        tpu.wait_dma2 semaphore(%run_scoped3A : memref<!tpu.dma_semaphore, #tpu.memory_space<semaphore_mem>>) src(%dma_wait3A_29 : memref<1000x128xf32, #tpu.memory_space<vmem_shared>>) dst(%dma_wait3A_27 : memref<1000x128xf32, #tpu.memory_space<hbm>>)
        tpu.yield
      }) : () -> ()
    } else {
    }
    return
  }
}

#map = affine_map<(d0, d1) -> (0, 0)>
#map1 = affine_map<(d0, d1) -> (0, 0, 0)>
#map2 = affine_map<(d0, d1) -> (0, 0, 0, 0)>
module attributes {stable_mosaic.version = 14 : i64} {
  func.func @_agg_body(%arg0: i32, %arg1: i32, %arg2: memref<10000x128xf32, #tpu.memory_space<hbm>>, %arg3: memref<16x160x125xi32, #tpu.memory_space<hbm>>, %arg4: memref<2x16x160x125xi32, #tpu.memory_space<hbm>>, %arg5: memref<5064x128xf32, #tpu.memory_space<hbm>>, %arg6: memref<10000x128xf32, #tpu.memory_space<hbm>>, %arg7: memref<160x125xi32, #tpu.memory_space<vmem>>, %arg8: memref<160x125xi32, #tpu.memory_space<vmem>>, %arg9: memref<125x128xf32, #tpu.memory_space<vmem>>, %arg10: memref<125x128xf32, #tpu.memory_space<vmem>>, %arg11: memref<!tpu.dma_semaphore, #tpu.memory_space<semaphore_mem>>, %arg12: memref<!tpu.dma_semaphore, #tpu.memory_space<semaphore_mem>>, %arg13: memref<5064x128xf32, #tpu.memory_space<vmem_shared>>) attributes {dimension_semantics = [#tpu.dimension_semantics<core_parallel>, #tpu.dimension_semantics<subcore_parallel>], iteration_bounds = array<i64: 2, 16>, scalar_prefetch = 0 : i64, scratch_operands = 7 : i64, tpu.core_type = #tpu.core_type<sc_vector_subcore>, window_params = [{transform_indices = #map}, {transform_indices = #map1}, {transform_indices = #map2}, {transform_indices = #map}, {transform_indices = #map}]} {
    "tpu.region"() ({
      %run_scoped3A = tpu.sem_alloc : memref<!tpu.dma_semaphore, #tpu.memory_space<semaphore_mem>>
      %dma_start3A_18 = arith.constant 0 : i32
      %dma_start3A_19 = arith.constant 0 : i32
      %dma_start3A_20 = tpu.memref_slice %arg3[%arg1, %dma_start3A_18, %dma_start3A_19] : memref<16x160x125xi32, #tpu.memory_space<hbm>> -> memref<1x160x125xi32, #tpu.memory_space<hbm>>
      %dma_start3A_21 = tpu.memref_squeeze %dma_start3A_20 : memref<1x160x125xi32, #tpu.memory_space<hbm>> -> memref<160x125xi32, #tpu.memory_space<hbm>>
      %dma_start3A_22 = arith.constant 0 : i32
      %dma_start3A_23 = arith.constant 0 : i32
      %dma_start3A_24 = tpu.memref_slice %arg3[%arg1, %dma_start3A_22, %dma_start3A_23] : memref<16x160x125xi32, #tpu.memory_space<hbm>> -> memref<1x160x125xi32, #tpu.memory_space<hbm>>
      %dma_start3A_25 = tpu.memref_squeeze %dma_start3A_24 : memref<1x160x125xi32, #tpu.memory_space<hbm>> -> memref<160x125xi32, #tpu.memory_space<hbm>>
      tpu.enqueue_dma source(%dma_start3A_25 : memref<160x125xi32, #tpu.memory_space<hbm>>) target(%arg7 : memref<160x125xi32, #tpu.memory_space<vmem>>) target_semaphore(%run_scoped3A : memref<!tpu.dma_semaphore, #tpu.memory_space<semaphore_mem>>)
      %dma_wait3A = arith.constant 0 : i32
      %dma_wait3A_26 = arith.constant 0 : i32
      %dma_wait3A_27 = tpu.memref_slice %arg3[%arg1, %dma_wait3A, %dma_wait3A_26] : memref<16x160x125xi32, #tpu.memory_space<hbm>> -> memref<1x160x125xi32, #tpu.memory_space<hbm>>
      %dma_wait3A_28 = tpu.memref_squeeze %dma_wait3A_27 : memref<1x160x125xi32, #tpu.memory_space<hbm>> -> memref<160x125xi32, #tpu.memory_space<hbm>>
      %dma_wait3A_29 = arith.constant 0 : i32
      %dma_wait3A_30 = arith.constant 0 : i32
      %dma_wait3A_31 = tpu.memref_slice %arg3[%arg1, %dma_wait3A_29, %dma_wait3A_30] : memref<16x160x125xi32, #tpu.memory_space<hbm>> -> memref<1x160x125xi32, #tpu.memory_space<hbm>>
      %dma_wait3A_32 = tpu.memref_squeeze %dma_wait3A_31 : memref<1x160x125xi32, #tpu.memory_space<hbm>> -> memref<160x125xi32, #tpu.memory_space<hbm>>
      tpu.wait_dma2 semaphore(%run_scoped3A : memref<!tpu.dma_semaphore, #tpu.memory_space<semaphore_mem>>) src(%dma_wait3A_32 : memref<160x125xi32, #tpu.memory_space<hbm>>) dst(%arg7 : memref<160x125xi32, #tpu.memory_space<vmem>>)
      tpu.yield
    }) : () -> ()
    "tpu.region"() ({
      %run_scoped3A = tpu.sem_alloc : memref<!tpu.dma_semaphore, #tpu.memory_space<semaphore_mem>>
      %dma_start3A_18 = arith.constant 0 : i32
      %dma_start3A_19 = arith.constant 0 : i32
      %dma_start3A_20 = tpu.memref_slice %arg4[%arg0, %arg1, %dma_start3A_18, %dma_start3A_19] : memref<2x16x160x125xi32, #tpu.memory_space<hbm>> -> memref<1x1x160x125xi32, #tpu.memory_space<hbm>>
      %dma_start3A_21 = tpu.memref_squeeze %dma_start3A_20 : memref<1x1x160x125xi32, #tpu.memory_space<hbm>> -> memref<160x125xi32, #tpu.memory_space<hbm>>
      %dma_start3A_22 = arith.constant 0 : i32
      %dma_start3A_23 = arith.constant 0 : i32
      %dma_start3A_24 = tpu.memref_slice %arg4[%arg0, %arg1, %dma_start3A_22, %dma_start3A_23] : memref<2x16x160x125xi32, #tpu.memory_space<hbm>> -> memref<1x1x160x125xi32, #tpu.memory_space<hbm>>
      %dma_start3A_25 = tpu.memref_squeeze %dma_start3A_24 : memref<1x1x160x125xi32, #tpu.memory_space<hbm>> -> memref<160x125xi32, #tpu.memory_space<hbm>>
      tpu.enqueue_dma source(%dma_start3A_25 : memref<160x125xi32, #tpu.memory_space<hbm>>) target(%arg8 : memref<160x125xi32, #tpu.memory_space<vmem>>) target_semaphore(%run_scoped3A : memref<!tpu.dma_semaphore, #tpu.memory_space<semaphore_mem>>)
      %dma_wait3A = arith.constant 0 : i32
      %dma_wait3A_26 = arith.constant 0 : i32
      %dma_wait3A_27 = tpu.memref_slice %arg4[%arg0, %arg1, %dma_wait3A, %dma_wait3A_26] : memref<2x16x160x125xi32, #tpu.memory_space<hbm>> -> memref<1x1x160x125xi32, #tpu.memory_space<hbm>>
      %dma_wait3A_28 = tpu.memref_squeeze %dma_wait3A_27 : memref<1x1x160x125xi32, #tpu.memory_space<hbm>> -> memref<160x125xi32, #tpu.memory_space<hbm>>
      %dma_wait3A_29 = arith.constant 0 : i32
      %dma_wait3A_30 = arith.constant 0 : i32
      %dma_wait3A_31 = tpu.memref_slice %arg4[%arg0, %arg1, %dma_wait3A_29, %dma_wait3A_30] : memref<2x16x160x125xi32, #tpu.memory_space<hbm>> -> memref<1x1x160x125xi32, #tpu.memory_space<hbm>>
      %dma_wait3A_32 = tpu.memref_squeeze %dma_wait3A_31 : memref<1x1x160x125xi32, #tpu.memory_space<hbm>> -> memref<160x125xi32, #tpu.memory_space<hbm>>
      tpu.wait_dma2 semaphore(%run_scoped3A : memref<!tpu.dma_semaphore, #tpu.memory_space<semaphore_mem>>) src(%dma_wait3A_32 : memref<160x125xi32, #tpu.memory_space<hbm>>) dst(%arg8 : memref<160x125xi32, #tpu.memory_space<vmem>>)
      tpu.yield
    }) : () -> ()
    %eq3A = arith.constant 0 : i32
    %eq3A_0 = arith.cmpi eq, %arg1, %eq3A : i32
    %convert_element_type3A = arith.extui %eq3A_0 : i1 to i32
    %cond3A = arith.constant 0 : i32
    %cond3A_1 = arith.cmpi ne, %convert_element_type3A, %cond3A : i32
    scf.if %cond3A_1 {
      "tpu.region"() ({
        %run_scoped3A = tpu.sem_alloc : memref<!tpu.dma_semaphore, #tpu.memory_space<semaphore_mem>>
        tpu.enqueue_dma source(%arg5 : memref<5064x128xf32, #tpu.memory_space<hbm>>) target(%arg13 : memref<5064x128xf32, #tpu.memory_space<vmem_shared>>) target_semaphore(%run_scoped3A : memref<!tpu.dma_semaphore, #tpu.memory_space<semaphore_mem>>)
        tpu.wait_dma2 semaphore(%run_scoped3A : memref<!tpu.dma_semaphore, #tpu.memory_space<semaphore_mem>>) src(%arg5 : memref<5064x128xf32, #tpu.memory_space<hbm>>) dst(%arg13 : memref<5064x128xf32, #tpu.memory_space<vmem_shared>>)
        tpu.yield
      }) : () -> ()
    } else {
    }
    %barrier3A = arith.constant 0 : index
    tpu.barrier barrier_id(%barrier3A)
    %dma_start3A = arith.constant 0 : i32
    %dma_start3A_2 = arith.constant 0 : i32
    %dma_start3A_3 = tpu.memref_slice %arg7[%dma_start3A, %dma_start3A_2] : memref<160x125xi32, #tpu.memory_space<vmem>> -> memref<1x125xi32, #tpu.memory_space<vmem>>
    %dma_start3A_4 = tpu.memref_squeeze %dma_start3A_3 : memref<1x125xi32, #tpu.memory_space<vmem>> -> memref<125xi32, #tpu.memory_space<vmem>>
    %dma_start3A_5 = arith.constant 0 : i32
    %dma_start3A_6 = arith.constant 0 : i32
    %dma_start3A_7 = tpu.memref_slice %arg2[%dma_start3A_5, %dma_start3A_6] : memref<10000x128xf32, #tpu.memory_space<hbm>> -> memref<10000x128xf32, #tpu.memory_space<hbm>>
    tpu.enqueue_indirect_dma source(%dma_start3A_7 : memref<10000x128xf32, #tpu.memory_space<hbm>>) target(%arg9 : memref<125x128xf32, #tpu.memory_space<vmem>>) offsets(%dma_start3A_4 : memref<125xi32, #tpu.memory_space<vmem>>) semaphore(%arg11 : memref<!tpu.dma_semaphore, #tpu.memory_space<semaphore_mem>>)
    %scan3A = arith.constant 0 : i32
    %scan3A_8 = arith.constant 0 : i32
    %scan3A_9 = arith.constant 80 : i32
    %scan3A_10 = arith.addi %scan3A_8, %scan3A_9 : i32
    %scan3A_11 = arith.constant 1 : i32
    scf.for %scan3A_18 = %scan3A_8 to %scan3A_10 step %scan3A_11  : i32 {
      %mul3A = arith.constant 2 : i32
      %mul3A_19 = arith.muli %scan3A_18, %mul3A : i32
      %add3A = arith.constant 1 : i32
      %add3A_20 = arith.addi %mul3A_19, %add3A : i32
      %dma_start3A_21 = arith.constant 0 : i32
      %dma_start3A_22 = tpu.memref_slice %arg7[%add3A_20, %dma_start3A_21] : memref<160x125xi32, #tpu.memory_space<vmem>> -> memref<1x125xi32, #tpu.memory_space<vmem>>
      %dma_start3A_23 = tpu.memref_squeeze %dma_start3A_22 : memref<1x125xi32, #tpu.memory_space<vmem>> -> memref<125xi32, #tpu.memory_space<vmem>>
      %dma_start3A_24 = arith.constant 0 : i32
      %dma_start3A_25 = arith.constant 0 : i32
      %dma_start3A_26 = tpu.memref_slice %arg2[%dma_start3A_24, %dma_start3A_25] : memref<10000x128xf32, #tpu.memory_space<hbm>> -> memref<10000x128xf32, #tpu.memory_space<hbm>>
      tpu.enqueue_indirect_dma source(%dma_start3A_26 : memref<10000x128xf32, #tpu.memory_space<hbm>>) target(%arg10 : memref<125x128xf32, #tpu.memory_space<vmem>>) offsets(%dma_start3A_23 : memref<125xi32, #tpu.memory_space<vmem>>) semaphore(%arg12 : memref<!tpu.dma_semaphore, #tpu.memory_space<semaphore_mem>>)
      %dma_wait3A = arith.constant 0 : i32
      %dma_wait3A_27 = tpu.memref_slice %arg7[%mul3A_19, %dma_wait3A] : memref<160x125xi32, #tpu.memory_space<vmem>> -> memref<1x125xi32, #tpu.memory_space<vmem>>
      %dma_wait3A_28 = tpu.memref_squeeze %dma_wait3A_27 : memref<1x125xi32, #tpu.memory_space<vmem>> -> memref<125xi32, #tpu.memory_space<vmem>>
      %dma_wait3A_29 = arith.constant 0 : i32
      %dma_wait3A_30 = arith.constant 0 : i32
      %dma_wait3A_31 = tpu.memref_slice %arg2[%dma_wait3A_29, %dma_wait3A_30] : memref<10000x128xf32, #tpu.memory_space<hbm>> -> memref<10000x128xf32, #tpu.memory_space<hbm>>
      tpu.wait_indirect_dma semaphore(%arg11 : memref<!tpu.dma_semaphore, #tpu.memory_space<semaphore_mem>>) src(%dma_wait3A_31 : memref<10000x128xf32, #tpu.memory_space<hbm>>) dst(%arg9 : memref<125x128xf32, #tpu.memory_space<vmem>>)
      "tpu.region"() ({
        %run_scoped3A = tpu.sem_alloc : memref<!tpu.dma_semaphore, #tpu.memory_space<semaphore_mem>>
        %dma_start3A_49 = arith.constant 0 : i32
        %dma_start3A_50 = tpu.memref_slice %arg8[%mul3A_19, %dma_start3A_49] : memref<160x125xi32, #tpu.memory_space<vmem>> -> memref<1x125xi32, #tpu.memory_space<vmem>>
        %dma_start3A_51 = tpu.memref_squeeze %dma_start3A_50 : memref<1x125xi32, #tpu.memory_space<vmem>> -> memref<125xi32, #tpu.memory_space<vmem>>
        %dma_start3A_52 = arith.constant 0 : i32
        %dma_start3A_53 = arith.constant 0 : i32
        %dma_start3A_54 = tpu.memref_slice %arg13[%dma_start3A_52, %dma_start3A_53] : memref<5064x128xf32, #tpu.memory_space<vmem_shared>> -> memref<5064x128xf32, #tpu.memory_space<vmem_shared>>
        tpu.enqueue_indirect_dma source(%arg9 : memref<125x128xf32, #tpu.memory_space<vmem>>) target(%dma_start3A_54 : memref<5064x128xf32, #tpu.memory_space<vmem_shared>>) offsets(%dma_start3A_51 : memref<125xi32, #tpu.memory_space<vmem>>) semaphore(%run_scoped3A : memref<!tpu.dma_semaphore, #tpu.memory_space<semaphore_mem>>) {add = true}
        %dma_wait3A_55 = arith.constant 0 : i32
        %dma_wait3A_56 = tpu.memref_slice %arg8[%mul3A_19, %dma_wait3A_55] : memref<160x125xi32, #tpu.memory_space<vmem>> -> memref<1x125xi32, #tpu.memory_space<vmem>>
        %dma_wait3A_57 = tpu.memref_squeeze %dma_wait3A_56 : memref<1x125xi32, #tpu.memory_space<vmem>> -> memref<125xi32, #tpu.memory_space<vmem>>
        %dma_wait3A_58 = arith.constant 0 : i32
        %dma_wait3A_59 = arith.constant 0 : i32
        %dma_wait3A_60 = tpu.memref_slice %arg13[%dma_wait3A_58, %dma_wait3A_59] : memref<5064x128xf32, #tpu.memory_space<vmem_shared>> -> memref<5064x128xf32, #tpu.memory_space<vmem_shared>>
        tpu.wait_indirect_dma semaphore(%run_scoped3A : memref<!tpu.dma_semaphore, #tpu.memory_space<semaphore_mem>>) src(%arg9 : memref<125x128xf32, #tpu.memory_space<vmem>>) dst(%dma_wait3A_60 : memref<5064x128xf32, #tpu.memory_space<vmem_shared>>)
        tpu.yield
      }) : () -> ()
      %add3A_32 = arith.constant 2 : i32
      %add3A_33 = arith.addi %mul3A_19, %add3A_32 : i32
      %lt3A_34 = arith.constant 160 : i32
      %lt3A_35 = arith.cmpi slt, %add3A_33, %lt3A_34 : i32
      %convert_element_type3A_36 = arith.extui %lt3A_35 : i1 to i32
      %cond3A_37 = arith.constant 0 : i32
      %cond3A_38 = arith.cmpi ne, %convert_element_type3A_36, %cond3A_37 : i32
      scf.if %cond3A_38 {
        %add3A_49 = arith.constant 2 : i32
        %add3A_50 = arith.addi %mul3A_19, %add3A_49 : i32
        %dma_start3A_51 = arith.constant 0 : i32
        %dma_start3A_52 = tpu.memref_slice %arg7[%add3A_50, %dma_start3A_51] : memref<160x125xi32, #tpu.memory_space<vmem>> -> memref<1x125xi32, #tpu.memory_space<vmem>>
        %dma_start3A_53 = tpu.memref_squeeze %dma_start3A_52 : memref<1x125xi32, #tpu.memory_space<vmem>> -> memref<125xi32, #tpu.memory_space<vmem>>
        %dma_start3A_54 = arith.constant 0 : i32
        %dma_start3A_55 = arith.constant 0 : i32
        %dma_start3A_56 = tpu.memref_slice %arg2[%dma_start3A_54, %dma_start3A_55] : memref<10000x128xf32, #tpu.memory_space<hbm>> -> memref<10000x128xf32, #tpu.memory_space<hbm>>
        tpu.enqueue_indirect_dma source(%dma_start3A_56 : memref<10000x128xf32, #tpu.memory_space<hbm>>) target(%arg9 : memref<125x128xf32, #tpu.memory_space<vmem>>) offsets(%dma_start3A_53 : memref<125xi32, #tpu.memory_space<vmem>>) semaphore(%arg11 : memref<!tpu.dma_semaphore, #tpu.memory_space<semaphore_mem>>)
      } else {
      }
      %add3A_39 = arith.constant 1 : i32
      %add3A_40 = arith.addi %mul3A_19, %add3A_39 : i32
      %dma_wait3A_41 = arith.constant 0 : i32
      %dma_wait3A_42 = tpu.memref_slice %arg7[%add3A_40, %dma_wait3A_41] : memref<160x125xi32, #tpu.memory_space<vmem>> -> memref<1x125xi32, #tpu.memory_space<vmem>>
      %dma_wait3A_43 = tpu.memref_squeeze %dma_wait3A_42 : memref<1x125xi32, #tpu.memory_space<vmem>> -> memref<125xi32, #tpu.memory_space<vmem>>
      %dma_wait3A_44 = arith.constant 0 : i32
      %dma_wait3A_45 = arith.constant 0 : i32
      %dma_wait3A_46 = tpu.memref_slice %arg2[%dma_wait3A_44, %dma_wait3A_45] : memref<10000x128xf32, #tpu.memory_space<hbm>> -> memref<10000x128xf32, #tpu.memory_space<hbm>>
      tpu.wait_indirect_dma semaphore(%arg12 : memref<!tpu.dma_semaphore, #tpu.memory_space<semaphore_mem>>) src(%dma_wait3A_46 : memref<10000x128xf32, #tpu.memory_space<hbm>>) dst(%arg10 : memref<125x128xf32, #tpu.memory_space<vmem>>)
      %add3A_47 = arith.constant 1 : i32
      %add3A_48 = arith.addi %mul3A_19, %add3A_47 : i32
      "tpu.region"() ({
        %run_scoped3A = tpu.sem_alloc : memref<!tpu.dma_semaphore, #tpu.memory_space<semaphore_mem>>
        %dma_start3A_49 = arith.constant 0 : i32
        %dma_start3A_50 = tpu.memref_slice %arg8[%add3A_48, %dma_start3A_49] : memref<160x125xi32, #tpu.memory_space<vmem>> -> memref<1x125xi32, #tpu.memory_space<vmem>>
        %dma_start3A_51 = tpu.memref_squeeze %dma_start3A_50 : memref<1x125xi32, #tpu.memory_space<vmem>> -> memref<125xi32, #tpu.memory_space<vmem>>
        %dma_start3A_52 = arith.constant 0 : i32
        %dma_start3A_53 = arith.constant 0 : i32
        %dma_start3A_54 = tpu.memref_slice %arg13[%dma_start3A_52, %dma_start3A_53] : memref<5064x128xf32, #tpu.memory_space<vmem_shared>> -> memref<5064x128xf32, #tpu.memory_space<vmem_shared>>
        tpu.enqueue_indirect_dma source(%arg10 : memref<125x128xf32, #tpu.memory_space<vmem>>) target(%dma_start3A_54 : memref<5064x128xf32, #tpu.memory_space<vmem_shared>>) offsets(%dma_start3A_51 : memref<125xi32, #tpu.memory_space<vmem>>) semaphore(%run_scoped3A : memref<!tpu.dma_semaphore, #tpu.memory_space<semaphore_mem>>) {add = true}
        %dma_wait3A_55 = arith.constant 0 : i32
        %dma_wait3A_56 = tpu.memref_slice %arg8[%add3A_48, %dma_wait3A_55] : memref<160x125xi32, #tpu.memory_space<vmem>> -> memref<1x125xi32, #tpu.memory_space<vmem>>
        %dma_wait3A_57 = tpu.memref_squeeze %dma_wait3A_56 : memref<1x125xi32, #tpu.memory_space<vmem>> -> memref<125xi32, #tpu.memory_space<vmem>>
        %dma_wait3A_58 = arith.constant 0 : i32
        %dma_wait3A_59 = arith.constant 0 : i32
        %dma_wait3A_60 = tpu.memref_slice %arg13[%dma_wait3A_58, %dma_wait3A_59] : memref<5064x128xf32, #tpu.memory_space<vmem_shared>> -> memref<5064x128xf32, #tpu.memory_space<vmem_shared>>
        tpu.wait_indirect_dma semaphore(%run_scoped3A : memref<!tpu.dma_semaphore, #tpu.memory_space<semaphore_mem>>) src(%arg10 : memref<125x128xf32, #tpu.memory_space<vmem>>) dst(%dma_wait3A_60 : memref<5064x128xf32, #tpu.memory_space<vmem_shared>>)
        tpu.yield
      }) : () -> ()
    }
    %scan3A_12 = arith.constant 80 : i32
    %barrier3A_13 = arith.constant 0 : index
    tpu.barrier barrier_id(%barrier3A_13)
    %lt3A = arith.constant 5 : i32
    %lt3A_14 = arith.cmpi slt, %arg1, %lt3A : i32
    %convert_element_type3A_15 = arith.extui %lt3A_14 : i1 to i32
    %cond3A_16 = arith.constant 0 : i32
    %cond3A_17 = arith.cmpi ne, %convert_element_type3A_15, %cond3A_16 : i32
    scf.if %cond3A_17 {
      %mul3A = arith.constant 1000 : i32
      %mul3A_18 = arith.muli %arg1, %mul3A : i32
      %mul3A_19 = arith.constant 5000 : i32
      %mul3A_20 = arith.muli %arg0, %mul3A_19 : i32
      %mul3A_21 = arith.constant 1000 : i32
      %mul3A_22 = arith.muli %arg1, %mul3A_21 : i32
      %add3A = arith.addi %mul3A_20, %mul3A_22 : i32
      "tpu.region"() ({
        %run_scoped3A = tpu.sem_alloc : memref<!tpu.dma_semaphore, #tpu.memory_space<semaphore_mem>>
        %dma_start3A_23 = arith.constant 0 : i32
        %dma_start3A_24 = tpu.memref_slice %arg6[%add3A, %dma_start3A_23] : memref<10000x128xf32, #tpu.memory_space<hbm>> -> memref<1000x128xf32, #tpu.memory_space<hbm>>
        %dma_start3A_25 = arith.constant 0 : i32
        %dma_start3A_26 = tpu.memref_slice %arg13[%mul3A_18, %dma_start3A_25] : memref<5064x128xf32, #tpu.memory_space<vmem_shared>> -> memref<1000x128xf32, #tpu.memory_space<vmem_shared>>
        tpu.enqueue_dma source(%dma_start3A_26 : memref<1000x128xf32, #tpu.memory_space<vmem_shared>>) target(%dma_start3A_24 : memref<1000x128xf32, #tpu.memory_space<hbm>>) target_semaphore(%run_scoped3A : memref<!tpu.dma_semaphore, #tpu.memory_space<semaphore_mem>>)
        %dma_wait3A = arith.constant 0 : i32
        %dma_wait3A_27 = tpu.memref_slice %arg6[%add3A, %dma_wait3A] : memref<10000x128xf32, #tpu.memory_space<hbm>> -> memref<1000x128xf32, #tpu.memory_space<hbm>>
        %dma_wait3A_28 = arith.constant 0 : i32
        %dma_wait3A_29 = tpu.memref_slice %arg13[%mul3A_18, %dma_wait3A_28] : memref<5064x128xf32, #tpu.memory_space<vmem_shared>> -> memref<1000x128xf32, #tpu.memory_space<vmem_shared>>
        tpu.wait_dma2 semaphore(%run_scoped3A : memref<!tpu.dma_semaphore, #tpu.memory_space<semaphore_mem>>) src(%dma_wait3A_29 : memref<1000x128xf32, #tpu.memory_space<vmem_shared>>) dst(%dma_wait3A_27 : memref<1000x128xf32, #tpu.memory_space<hbm>>)
        tpu.yield
      }) : () -> ()
    } else {
    }
    return
  }
}

#map = affine_map<(d0, d1) -> (0, 0, 0, 0, 0)>
#map1 = affine_map<(d0, d1) -> (0, 0)>
#map2 = affine_map<(d0, d1) -> (0, 0, 0)>
module attributes {stable_mosaic.version = 14 : i64} {
  func.func @_hist_body(%arg0: i32, %arg1: i32, %arg2: memref<2x2x16x160x125xi32, #tpu.memory_space<hbm>>, %arg3: memref<125x128xf32, #tpu.memory_space<hbm>>, %arg4: memref<5064x128xf32, #tpu.memory_space<hbm>>, %arg5: memref<2x10000x128xf32, #tpu.memory_space<hbm>>, %arg6: memref<160x125xi32, #tpu.memory_space<vmem>>, %arg7: memref<160x125xi32, #tpu.memory_space<vmem>>, %arg8: memref<125x128xf32, #tpu.memory_space<vmem>>, %arg9: memref<5064x128xf32, #tpu.memory_space<vmem_shared>>) attributes {dimension_semantics = [#tpu.dimension_semantics<core_parallel>, #tpu.dimension_semantics<subcore_parallel>], iteration_bounds = array<i64: 2, 16>, scalar_prefetch = 0 : i64, scratch_operands = 4 : i64, tpu.core_type = #tpu.core_type<sc_vector_subcore>, window_params = [{transform_indices = #map}, {transform_indices = #map1}, {transform_indices = #map1}, {transform_indices = #map2}]} {
    %run_scoped3A = arith.constant 0 : i32
    "tpu.region"() ({
      %run_scoped3A_33 = tpu.sem_alloc : memref<!tpu.dma_semaphore, #tpu.memory_space<semaphore_mem>>
      %dma_start3A = arith.constant 0 : i32
      %dma_start3A_34 = arith.constant 0 : i32
      %dma_start3A_35 = tpu.memref_slice %arg2[%run_scoped3A, %arg0, %arg1, %dma_start3A, %dma_start3A_34] : memref<2x2x16x160x125xi32, #tpu.memory_space<hbm>> -> memref<1x1x1x160x125xi32, #tpu.memory_space<hbm>>
      %dma_start3A_36 = tpu.memref_squeeze %dma_start3A_35 : memref<1x1x1x160x125xi32, #tpu.memory_space<hbm>> -> memref<160x125xi32, #tpu.memory_space<hbm>>
      %dma_start3A_37 = arith.constant 0 : i32
      %dma_start3A_38 = arith.constant 0 : i32
      %dma_start3A_39 = tpu.memref_slice %arg2[%run_scoped3A, %arg0, %arg1, %dma_start3A_37, %dma_start3A_38] : memref<2x2x16x160x125xi32, #tpu.memory_space<hbm>> -> memref<1x1x1x160x125xi32, #tpu.memory_space<hbm>>
      %dma_start3A_40 = tpu.memref_squeeze %dma_start3A_39 : memref<1x1x1x160x125xi32, #tpu.memory_space<hbm>> -> memref<160x125xi32, #tpu.memory_space<hbm>>
      tpu.enqueue_dma source(%dma_start3A_40 : memref<160x125xi32, #tpu.memory_space<hbm>>) target(%arg6 : memref<160x125xi32, #tpu.memory_space<vmem>>) target_semaphore(%run_scoped3A_33 : memref<!tpu.dma_semaphore, #tpu.memory_space<semaphore_mem>>)
      %dma_wait3A = arith.constant 0 : i32
      %dma_wait3A_41 = arith.constant 0 : i32
      %dma_wait3A_42 = tpu.memref_slice %arg2[%run_scoped3A, %arg0, %arg1, %dma_wait3A, %dma_wait3A_41] : memref<2x2x16x160x125xi32, #tpu.memory_space<hbm>> -> memref<1x1x1x160x125xi32, #tpu.memory_space<hbm>>
      %dma_wait3A_43 = tpu.memref_squeeze %dma_wait3A_42 : memref<1x1x1x160x125xi32, #tpu.memory_space<hbm>> -> memref<160x125xi32, #tpu.memory_space<hbm>>
      %dma_wait3A_44 = arith.constant 0 : i32
      %dma_wait3A_45 = arith.constant 0 : i32
      %dma_wait3A_46 = tpu.memref_slice %arg2[%run_scoped3A, %arg0, %arg1, %dma_wait3A_44, %dma_wait3A_45] : memref<2x2x16x160x125xi32, #tpu.memory_space<hbm>> -> memref<1x1x1x160x125xi32, #tpu.memory_space<hbm>>
      %dma_wait3A_47 = tpu.memref_squeeze %dma_wait3A_46 : memref<1x1x1x160x125xi32, #tpu.memory_space<hbm>> -> memref<160x125xi32, #tpu.memory_space<hbm>>
      tpu.wait_dma2 semaphore(%run_scoped3A_33 : memref<!tpu.dma_semaphore, #tpu.memory_space<semaphore_mem>>) src(%dma_wait3A_47 : memref<160x125xi32, #tpu.memory_space<hbm>>) dst(%arg6 : memref<160x125xi32, #tpu.memory_space<vmem>>)
      tpu.yield
    }) : () -> ()
    %run_scoped3A_0 = arith.constant 1 : i32
    "tpu.region"() ({
      %run_scoped3A_33 = tpu.sem_alloc : memref<!tpu.dma_semaphore, #tpu.memory_space<semaphore_mem>>
      %dma_start3A = arith.constant 0 : i32
      %dma_start3A_34 = arith.constant 0 : i32
      %dma_start3A_35 = tpu.memref_slice %arg2[%run_scoped3A_0, %arg0, %arg1, %dma_start3A, %dma_start3A_34] : memref<2x2x16x160x125xi32, #tpu.memory_space<hbm>> -> memref<1x1x1x160x125xi32, #tpu.memory_space<hbm>>
      %dma_start3A_36 = tpu.memref_squeeze %dma_start3A_35 : memref<1x1x1x160x125xi32, #tpu.memory_space<hbm>> -> memref<160x125xi32, #tpu.memory_space<hbm>>
      %dma_start3A_37 = arith.constant 0 : i32
      %dma_start3A_38 = arith.constant 0 : i32
      %dma_start3A_39 = tpu.memref_slice %arg2[%run_scoped3A_0, %arg0, %arg1, %dma_start3A_37, %dma_start3A_38] : memref<2x2x16x160x125xi32, #tpu.memory_space<hbm>> -> memref<1x1x1x160x125xi32, #tpu.memory_space<hbm>>
      %dma_start3A_40 = tpu.memref_squeeze %dma_start3A_39 : memref<1x1x1x160x125xi32, #tpu.memory_space<hbm>> -> memref<160x125xi32, #tpu.memory_space<hbm>>
      tpu.enqueue_dma source(%dma_start3A_40 : memref<160x125xi32, #tpu.memory_space<hbm>>) target(%arg7 : memref<160x125xi32, #tpu.memory_space<vmem>>) target_semaphore(%run_scoped3A_33 : memref<!tpu.dma_semaphore, #tpu.memory_space<semaphore_mem>>)
      %dma_wait3A = arith.constant 0 : i32
      %dma_wait3A_41 = arith.constant 0 : i32
      %dma_wait3A_42 = tpu.memref_slice %arg2[%run_scoped3A_0, %arg0, %arg1, %dma_wait3A, %dma_wait3A_41] : memref<2x2x16x160x125xi32, #tpu.memory_space<hbm>> -> memref<1x1x1x160x125xi32, #tpu.memory_space<hbm>>
      %dma_wait3A_43 = tpu.memref_squeeze %dma_wait3A_42 : memref<1x1x1x160x125xi32, #tpu.memory_space<hbm>> -> memref<160x125xi32, #tpu.memory_space<hbm>>
      %dma_wait3A_44 = arith.constant 0 : i32
      %dma_wait3A_45 = arith.constant 0 : i32
      %dma_wait3A_46 = tpu.memref_slice %arg2[%run_scoped3A_0, %arg0, %arg1, %dma_wait3A_44, %dma_wait3A_45] : memref<2x2x16x160x125xi32, #tpu.memory_space<hbm>> -> memref<1x1x1x160x125xi32, #tpu.memory_space<hbm>>
      %dma_wait3A_47 = tpu.memref_squeeze %dma_wait3A_46 : memref<1x1x1x160x125xi32, #tpu.memory_space<hbm>> -> memref<160x125xi32, #tpu.memory_space<hbm>>
      tpu.wait_dma2 semaphore(%run_scoped3A_33 : memref<!tpu.dma_semaphore, #tpu.memory_space<semaphore_mem>>) src(%dma_wait3A_47 : memref<160x125xi32, #tpu.memory_space<hbm>>) dst(%arg7 : memref<160x125xi32, #tpu.memory_space<vmem>>)
      tpu.yield
    }) : () -> ()
    "tpu.region"() ({
      %run_scoped3A_33 = tpu.sem_alloc : memref<!tpu.dma_semaphore, #tpu.memory_space<semaphore_mem>>
      tpu.enqueue_dma source(%arg3 : memref<125x128xf32, #tpu.memory_space<hbm>>) target(%arg8 : memref<125x128xf32, #tpu.memory_space<vmem>>) target_semaphore(%run_scoped3A_33 : memref<!tpu.dma_semaphore, #tpu.memory_space<semaphore_mem>>)
      tpu.wait_dma2 semaphore(%run_scoped3A_33 : memref<!tpu.dma_semaphore, #tpu.memory_space<semaphore_mem>>) src(%arg3 : memref<125x128xf32, #tpu.memory_space<hbm>>) dst(%arg8 : memref<125x128xf32, #tpu.memory_space<vmem>>)
      tpu.yield
    }) : () -> ()
    %eq3A = arith.constant 0 : i32
    %eq3A_1 = arith.cmpi eq, %arg1, %eq3A : i32
    %convert_element_type3A = arith.extui %eq3A_1 : i1 to i32
    %cond3A = arith.constant 0 : i32
    %cond3A_2 = arith.cmpi ne, %convert_element_type3A, %cond3A : i32
    scf.if %cond3A_2 {
      "tpu.region"() ({
        %run_scoped3A_33 = tpu.sem_alloc : memref<!tpu.dma_semaphore, #tpu.memory_space<semaphore_mem>>
        tpu.enqueue_dma source(%arg4 : memref<5064x128xf32, #tpu.memory_space<hbm>>) target(%arg9 : memref<5064x128xf32, #tpu.memory_space<vmem_shared>>) target_semaphore(%run_scoped3A_33 : memref<!tpu.dma_semaphore, #tpu.memory_space<semaphore_mem>>)
        tpu.wait_dma2 semaphore(%run_scoped3A_33 : memref<!tpu.dma_semaphore, #tpu.memory_space<semaphore_mem>>) src(%arg4 : memref<5064x128xf32, #tpu.memory_space<hbm>>) dst(%arg9 : memref<5064x128xf32, #tpu.memory_space<vmem_shared>>)
        tpu.yield
      }) : () -> ()
    } else {
    }
    %barrier3A = arith.constant 0 : index
    tpu.barrier barrier_id(%barrier3A)
    %scan3A = arith.constant 0 : i32
    %scan3A_3 = arith.constant 0 : i32
    %scan3A_4 = arith.constant 160 : i32
    %scan3A_5 = arith.addi %scan3A_3, %scan3A_4 : i32
    %scan3A_6 = arith.constant 1 : i32
    scf.for %scan3A_33 = %scan3A_3 to %scan3A_5 step %scan3A_6  : i32 {
      "tpu.region"() ({
        %run_scoped3A_34 = tpu.sem_alloc : memref<!tpu.dma_semaphore, #tpu.memory_space<semaphore_mem>>
        %dma_start3A = arith.constant 0 : i32
        %dma_start3A_35 = tpu.memref_slice %arg6[%scan3A_33, %dma_start3A] : memref<160x125xi32, #tpu.memory_space<vmem>> -> memref<1x125xi32, #tpu.memory_space<vmem>>
        %dma_start3A_36 = tpu.memref_squeeze %dma_start3A_35 : memref<1x125xi32, #tpu.memory_space<vmem>> -> memref<125xi32, #tpu.memory_space<vmem>>
        %dma_start3A_37 = arith.constant 0 : i32
        %dma_start3A_38 = arith.constant 0 : i32
        %dma_start3A_39 = tpu.memref_slice %arg9[%dma_start3A_37, %dma_start3A_38] : memref<5064x128xf32, #tpu.memory_space<vmem_shared>> -> memref<5064x128xf32, #tpu.memory_space<vmem_shared>>
        tpu.enqueue_indirect_dma source(%arg8 : memref<125x128xf32, #tpu.memory_space<vmem>>) target(%dma_start3A_39 : memref<5064x128xf32, #tpu.memory_space<vmem_shared>>) offsets(%dma_start3A_36 : memref<125xi32, #tpu.memory_space<vmem>>) semaphore(%run_scoped3A_34 : memref<!tpu.dma_semaphore, #tpu.memory_space<semaphore_mem>>) {add = true}
        %dma_wait3A = arith.constant 0 : i32
        %dma_wait3A_40 = tpu.memref_slice %arg6[%scan3A_33, %dma_wait3A] : memref<160x125xi32, #tpu.memory_space<vmem>> -> memref<1x125xi32, #tpu.memory_space<vmem>>
        %dma_wait3A_41 = tpu.memref_squeeze %dma_wait3A_40 : memref<1x125xi32, #tpu.memory_space<vmem>> -> memref<125xi32, #tpu.memory_space<vmem>>
        %dma_wait3A_42 = arith.constant 0 : i32
        %dma_wait3A_43 = arith.constant 0 : i32
        %dma_wait3A_44 = tpu.memref_slice %arg9[%dma_wait3A_42, %dma_wait3A_43] : memref<5064x128xf32, #tpu.memory_space<vmem_shared>> -> memref<5064x128xf32, #tpu.memory_space<vmem_shared>>
        tpu.wait_indirect_dma semaphore(%run_scoped3A_34 : memref<!tpu.dma_semaphore, #tpu.memory_space<semaphore_mem>>) src(%arg8 : memref<125x128xf32, #tpu.memory_space<vmem>>) dst(%dma_wait3A_44 : memref<5064x128xf32, #tpu.memory_space<vmem_shared>>)
        tpu.yield
      }) : () -> ()
    }
    %scan3A_7 = arith.constant 160 : i32
    %barrier3A_8 = arith.constant 0 : index
    tpu.barrier barrier_id(%barrier3A_8)
    %lt3A = arith.constant 5 : i32
    %lt3A_9 = arith.cmpi slt, %arg1, %lt3A : i32
    %convert_element_type3A_10 = arith.extui %lt3A_9 : i1 to i32
    %cond3A_11 = arith.constant 0 : i32
    %cond3A_12 = arith.cmpi ne, %convert_element_type3A_10, %cond3A_11 : i32
    scf.if %cond3A_12 {
      %mul3A = arith.constant 1000 : i32
      %mul3A_33 = arith.muli %arg1, %mul3A : i32
      %mul3A_34 = arith.constant 5000 : i32
      %mul3A_35 = arith.muli %arg0, %mul3A_34 : i32
      %mul3A_36 = arith.constant 1000 : i32
      %mul3A_37 = arith.muli %arg1, %mul3A_36 : i32
      %add3A = arith.addi %mul3A_35, %mul3A_37 : i32
      %run_scoped3A_38 = arith.constant 0 : i32
      "tpu.region"() ({
        %run_scoped3A_39 = tpu.sem_alloc : memref<!tpu.dma_semaphore, #tpu.memory_space<semaphore_mem>>
        %dma_start3A = arith.constant 0 : i32
        %dma_start3A_40 = tpu.memref_slice %arg5[%run_scoped3A_38, %add3A, %dma_start3A] : memref<2x10000x128xf32, #tpu.memory_space<hbm>> -> memref<1x1000x128xf32, #tpu.memory_space<hbm>>
        %dma_start3A_41 = tpu.memref_squeeze %dma_start3A_40 : memref<1x1000x128xf32, #tpu.memory_space<hbm>> -> memref<1000x128xf32, #tpu.memory_space<hbm>>
        %dma_start3A_42 = arith.constant 0 : i32
        %dma_start3A_43 = tpu.memref_slice %arg9[%mul3A_33, %dma_start3A_42] : memref<5064x128xf32, #tpu.memory_space<vmem_shared>> -> memref<1000x128xf32, #tpu.memory_space<vmem_shared>>
        tpu.enqueue_dma source(%dma_start3A_43 : memref<1000x128xf32, #tpu.memory_space<vmem_shared>>) target(%dma_start3A_41 : memref<1000x128xf32, #tpu.memory_space<hbm>>) target_semaphore(%run_scoped3A_39 : memref<!tpu.dma_semaphore, #tpu.memory_space<semaphore_mem>>)
        %dma_wait3A = arith.constant 0 : i32
        %dma_wait3A_44 = tpu.memref_slice %arg5[%run_scoped3A_38, %add3A, %dma_wait3A] : memref<2x10000x128xf32, #tpu.memory_space<hbm>> -> memref<1x1000x128xf32, #tpu.memory_space<hbm>>
        %dma_wait3A_45 = tpu.memref_squeeze %dma_wait3A_44 : memref<1x1000x128xf32, #tpu.memory_space<hbm>> -> memref<1000x128xf32, #tpu.memory_space<hbm>>
        %dma_wait3A_46 = arith.constant 0 : i32
        %dma_wait3A_47 = tpu.memref_slice %arg9[%mul3A_33, %dma_wait3A_46] : memref<5064x128xf32, #tpu.memory_space<vmem_shared>> -> memref<1000x128xf32, #tpu.memory_space<vmem_shared>>
        tpu.wait_dma2 semaphore(%run_scoped3A_39 : memref<!tpu.dma_semaphore, #tpu.memory_space<semaphore_mem>>) src(%dma_wait3A_47 : memref<1000x128xf32, #tpu.memory_space<vmem_shared>>) dst(%dma_wait3A_45 : memref<1000x128xf32, #tpu.memory_space<hbm>>)
        tpu.yield
      }) : () -> ()
    } else {
    }
    %barrier3A_13 = arith.constant 0 : index
    tpu.barrier barrier_id(%barrier3A_13)
    %eq3A_14 = arith.constant 0 : i32
    %eq3A_15 = arith.cmpi eq, %arg1, %eq3A_14 : i32
    %convert_element_type3A_16 = arith.extui %eq3A_15 : i1 to i32
    %cond3A_17 = arith.constant 0 : i32
    %cond3A_18 = arith.cmpi ne, %convert_element_type3A_16, %cond3A_17 : i32
    scf.if %cond3A_18 {
      "tpu.region"() ({
        %run_scoped3A_33 = tpu.sem_alloc : memref<!tpu.dma_semaphore, #tpu.memory_space<semaphore_mem>>
        tpu.enqueue_dma source(%arg4 : memref<5064x128xf32, #tpu.memory_space<hbm>>) target(%arg9 : memref<5064x128xf32, #tpu.memory_space<vmem_shared>>) target_semaphore(%run_scoped3A_33 : memref<!tpu.dma_semaphore, #tpu.memory_space<semaphore_mem>>)
        tpu.wait_dma2 semaphore(%run_scoped3A_33 : memref<!tpu.dma_semaphore, #tpu.memory_space<semaphore_mem>>) src(%arg4 : memref<5064x128xf32, #tpu.memory_space<hbm>>) dst(%arg9 : memref<5064x128xf32, #tpu.memory_space<vmem_shared>>)
        tpu.yield
      }) : () -> ()
    } else {
    }
    %barrier3A_19 = arith.constant 0 : index
    tpu.barrier barrier_id(%barrier3A_19)
    %scan3A_20 = arith.constant 0 : i32
    %scan3A_21 = arith.constant 0 : i32
    %scan3A_22 = arith.constant 160 : i32
    %scan3A_23 = arith.addi %scan3A_21, %scan3A_22 : i32
    %scan3A_24 = arith.constant 1 : i32
    scf.for %scan3A_33 = %scan3A_21 to %scan3A_23 step %scan3A_24  : i32 {
      "tpu.region"() ({
        %run_scoped3A_34 = tpu.sem_alloc : memref<!tpu.dma_semaphore, #tpu.memory_space<semaphore_mem>>
        %dma_start3A = arith.constant 0 : i32
        %dma_start3A_35 = tpu.memref_slice %arg7[%scan3A_33, %dma_start3A] : memref<160x125xi32, #tpu.memory_space<vmem>> -> memref<1x125xi32, #tpu.memory_space<vmem>>
        %dma_start3A_36 = tpu.memref_squeeze %dma_start3A_35 : memref<1x125xi32, #tpu.memory_space<vmem>> -> memref<125xi32, #tpu.memory_space<vmem>>
        %dma_start3A_37 = arith.constant 0 : i32
        %dma_start3A_38 = arith.constant 0 : i32
        %dma_start3A_39 = tpu.memref_slice %arg9[%dma_start3A_37, %dma_start3A_38] : memref<5064x128xf32, #tpu.memory_space<vmem_shared>> -> memref<5064x128xf32, #tpu.memory_space<vmem_shared>>
        tpu.enqueue_indirect_dma source(%arg8 : memref<125x128xf32, #tpu.memory_space<vmem>>) target(%dma_start3A_39 : memref<5064x128xf32, #tpu.memory_space<vmem_shared>>) offsets(%dma_start3A_36 : memref<125xi32, #tpu.memory_space<vmem>>) semaphore(%run_scoped3A_34 : memref<!tpu.dma_semaphore, #tpu.memory_space<semaphore_mem>>) {add = true}
        %dma_wait3A = arith.constant 0 : i32
        %dma_wait3A_40 = tpu.memref_slice %arg7[%scan3A_33, %dma_wait3A] : memref<160x125xi32, #tpu.memory_space<vmem>> -> memref<1x125xi32, #tpu.memory_space<vmem>>
        %dma_wait3A_41 = tpu.memref_squeeze %dma_wait3A_40 : memref<1x125xi32, #tpu.memory_space<vmem>> -> memref<125xi32, #tpu.memory_space<vmem>>
        %dma_wait3A_42 = arith.constant 0 : i32
        %dma_wait3A_43 = arith.constant 0 : i32
        %dma_wait3A_44 = tpu.memref_slice %arg9[%dma_wait3A_42, %dma_wait3A_43] : memref<5064x128xf32, #tpu.memory_space<vmem_shared>> -> memref<5064x128xf32, #tpu.memory_space<vmem_shared>>
        tpu.wait_indirect_dma semaphore(%run_scoped3A_34 : memref<!tpu.dma_semaphore, #tpu.memory_space<semaphore_mem>>) src(%arg8 : memref<125x128xf32, #tpu.memory_space<vmem>>) dst(%dma_wait3A_44 : memref<5064x128xf32, #tpu.memory_space<vmem_shared>>)
        tpu.yield
      }) : () -> ()
    }
    %scan3A_25 = arith.constant 160 : i32
    %barrier3A_26 = arith.constant 0 : index
    tpu.barrier barrier_id(%barrier3A_26)
    %lt3A_27 = arith.constant 5 : i32
    %lt3A_28 = arith.cmpi slt, %arg1, %lt3A_27 : i32
    %convert_element_type3A_29 = arith.extui %lt3A_28 : i1 to i32
    %cond3A_30 = arith.constant 0 : i32
    %cond3A_31 = arith.cmpi ne, %convert_element_type3A_29, %cond3A_30 : i32
    scf.if %cond3A_31 {
      %mul3A = arith.constant 1000 : i32
      %mul3A_33 = arith.muli %arg1, %mul3A : i32
      %mul3A_34 = arith.constant 5000 : i32
      %mul3A_35 = arith.muli %arg0, %mul3A_34 : i32
      %mul3A_36 = arith.constant 1000 : i32
      %mul3A_37 = arith.muli %arg1, %mul3A_36 : i32
      %add3A = arith.addi %mul3A_35, %mul3A_37 : i32
      %run_scoped3A_38 = arith.constant 1 : i32
      "tpu.region"() ({
        %run_scoped3A_39 = tpu.sem_alloc : memref<!tpu.dma_semaphore, #tpu.memory_space<semaphore_mem>>
        %dma_start3A = arith.constant 0 : i32
        %dma_start3A_40 = tpu.memref_slice %arg5[%run_scoped3A_38, %add3A, %dma_start3A] : memref<2x10000x128xf32, #tpu.memory_space<hbm>> -> memref<1x1000x128xf32, #tpu.memory_space<hbm>>
        %dma_start3A_41 = tpu.memref_squeeze %dma_start3A_40 : memref<1x1000x128xf32, #tpu.memory_space<hbm>> -> memref<1000x128xf32, #tpu.memory_space<hbm>>
        %dma_start3A_42 = arith.constant 0 : i32
        %dma_start3A_43 = tpu.memref_slice %arg9[%mul3A_33, %dma_start3A_42] : memref<5064x128xf32, #tpu.memory_space<vmem_shared>> -> memref<1000x128xf32, #tpu.memory_space<vmem_shared>>
        tpu.enqueue_dma source(%dma_start3A_43 : memref<1000x128xf32, #tpu.memory_space<vmem_shared>>) target(%dma_start3A_41 : memref<1000x128xf32, #tpu.memory_space<hbm>>) target_semaphore(%run_scoped3A_39 : memref<!tpu.dma_semaphore, #tpu.memory_space<semaphore_mem>>)
        %dma_wait3A = arith.constant 0 : i32
        %dma_wait3A_44 = tpu.memref_slice %arg5[%run_scoped3A_38, %add3A, %dma_wait3A] : memref<2x10000x128xf32, #tpu.memory_space<hbm>> -> memref<1x1000x128xf32, #tpu.memory_space<hbm>>
        %dma_wait3A_45 = tpu.memref_squeeze %dma_wait3A_44 : memref<1x1000x128xf32, #tpu.memory_space<hbm>> -> memref<1000x128xf32, #tpu.memory_space<hbm>>
        %dma_wait3A_46 = arith.constant 0 : i32
        %dma_wait3A_47 = tpu.memref_slice %arg9[%mul3A_33, %dma_wait3A_46] : memref<5064x128xf32, #tpu.memory_space<vmem_shared>> -> memref<1000x128xf32, #tpu.memory_space<vmem_shared>>
        tpu.wait_dma2 semaphore(%run_scoped3A_39 : memref<!tpu.dma_semaphore, #tpu.memory_space<semaphore_mem>>) src(%dma_wait3A_47 : memref<1000x128xf32, #tpu.memory_space<vmem_shared>>) dst(%dma_wait3A_45 : memref<1000x128xf32, #tpu.memory_space<hbm>>)
        tpu.yield
      }) : () -> ()
    } else {
    }
    %barrier3A_32 = arith.constant 0 : index
    tpu.barrier barrier_id(%barrier3A_32)
    return
  }
}

module attributes {stable_mosaic.version = 14 : i64} {
  func.func @_mm1_body(%arg0: i32, %arg1: memref<1000x128xf32, #tpu.memory_space<vmem>>, %arg2: memref<1000x128xf32, #tpu.memory_space<vmem>>, %arg3: memref<128x128xf32, #tpu.memory_space<vmem>>, %arg4: memref<1000x128xf32, #tpu.memory_space<vmem>>) attributes {dimension_semantics = [#tpu.dimension_semantics<arbitrary>], iteration_bounds = array<i64: 10>, scalar_prefetch = 0 : i64, scratch_operands = 0 : i64, tpu.core_type = #tpu.core_type<tc>, window_params = [{transform_indices = @transform_0, window_bounds = array<i64: 1000, 128>}, {transform_indices = @transform_1, window_bounds = array<i64: 1000, 128>}, {pipeline_mode = #tpu.pipeline_mode<synchronous>, transform_indices = @transform_2, window_bounds = array<i64: 128, 128>}, {transform_indices = @transform_3, window_bounds = array<i64: 1000, 128>}]} {
    %get3A = arith.constant 0 : index
    %get3A_0 = arith.constant 0 : index
    %get3A_1 = vector.load %arg1[%get3A, %get3A_0] : memref<1000x128xf32, #tpu.memory_space<vmem>>, vector<1000x128xf32>
    %get3A_2 = arith.constant 0 : index
    %get3A_3 = arith.constant 0 : index
    %get3A_4 = vector.load %arg2[%get3A_2, %get3A_3] : memref<1000x128xf32, #tpu.memory_space<vmem>>, vector<1000x128xf32>
    %slice3A = vector.extract_strided_slice %get3A_4 {offsets = [0, 0], sizes = [1000, 1], strides = [1, 1]} : vector<1000x128xf32> to vector<1000x1xf32>
    %gt3A = arith.constant 0.000000e+00 : f32
    %gt3A_5 = vector.broadcast %gt3A : f32 to vector<1000x1xf32>
    %gt3A_6 = arith.cmpf ogt, %slice3A, %gt3A_5 : vector<1000x1xf32>
    %max3A = arith.constant 1.000000e+00 : f32
    %max3A_7 = vector.broadcast %max3A : f32 to vector<1000x1xf32>
    %max3A_8 = arith.maximumf %slice3A, %max3A_7 : vector<1000x1xf32>
    %rsqrt3A = math.rsqrt %max3A_8 : vector<1000x1xf32>
    %jit3A = arith.constant 0.000000e+00 : f32
    %broadcast_in_dim3A = vector.broadcast %jit3A : f32 to vector<1000x1xf32>
    %select_n3A = arith.select %gt3A_6, %rsqrt3A, %broadcast_in_dim3A : vector<1000x1xi1>, vector<1000x1xf32>
    %mul3A = vector.broadcast %select_n3A : vector<1000x1xf32> to vector<1000x128xf32>
    %mul3A_9 = arith.mulf %get3A_1, %mul3A : vector<1000x128xf32>
    %get3A_10 = arith.constant 0 : index
    %get3A_11 = arith.constant 0 : index
    %get3A_12 = vector.load %arg3[%get3A_10, %get3A_11] : memref<128x128xf32, #tpu.memory_space<vmem>>, vector<128x128xf32>
    %dot_general3A = arith.constant dense<0.000000e+00> : vector<1000x128xf32>
    %dot_general3A_13 = tpu.matmul %mul3A_9, %get3A_12, %dot_general3A {dimension_numbers = #tpu.dot_dimension_numbers<[1], [0], [0], [1], [0, 0, 1, 1], [], []>, transpose_lhs_hint = false} : vector<1000x128xf32>, vector<128x128xf32>, vector<1000x128xf32> -> vector<1000x128xf32>
    %swap3A = arith.constant 0 : index
    %swap3A_14 = arith.constant 0 : index
    %swap3A_15 = vector.load %arg4[%swap3A, %swap3A_14] : memref<1000x128xf32, #tpu.memory_space<vmem>>, vector<1000x128xf32>
    tpu.vector_store %arg4[%swap3A, %swap3A_14], %dot_general3A_13 {strides = array<i32>} : memref<1000x128xf32, #tpu.memory_space<vmem>>, vector<1000x128xf32>,
    return
  }
  func.func @transform_0(%arg0: i32) -> (i32, i32) {
    %c0_i32 = arith.constant 0 : i32
    %c0_i32_0 = arith.constant 0 : i32
    return %arg0, %c0_i32 : i32, i32
  }
  func.func @transform_1(%arg0: i32) -> (i32, i32) {
    %c0_i32 = arith.constant 0 : i32
    %c0_i32_0 = arith.constant 0 : i32
    return %arg0, %c0_i32 : i32, i32
  }
  func.func @transform_2(%arg0: i32) -> (i32, i32) {
    %c0_i32 = arith.constant 0 : i32
    %c0_i32_0 = arith.constant 0 : i32
    %c0_i32_1 = arith.constant 0 : i32
    return %c0_i32, %c0_i32_0 : i32, i32
  }
  func.func @transform_3(%arg0: i32) -> (i32, i32) {
    %c0_i32 = arith.constant 0 : i32
    %c0_i32_0 = arith.constant 0 : i32
    return %arg0, %c0_i32 : i32, i32
  }
}

module attributes {stable_mosaic.version = 14 : i64} {
  func.func @_out_body(%arg0: i32, %arg1: memref<1000x128xf32, #tpu.memory_space<vmem>>, %arg2: memref<1000x128xf32, #tpu.memory_space<vmem>>, %arg3: memref<1x128xf32, #tpu.memory_space<vmem>>, %arg4: memref<1000x128xf32, #tpu.memory_space<vmem>>) attributes {dimension_semantics = [#tpu.dimension_semantics<arbitrary>], iteration_bounds = array<i64: 10>, scalar_prefetch = 0 : i64, scratch_operands = 0 : i64, tpu.core_type = #tpu.core_type<tc>, window_params = [{transform_indices = @transform_0, window_bounds = array<i64: 1000, 128>}, {transform_indices = @transform_1, window_bounds = array<i64: 1000, 128>}, {pipeline_mode = #tpu.pipeline_mode<synchronous>, transform_indices = @transform_2, window_bounds = array<i64: 1, 128>}, {transform_indices = @transform_3, window_bounds = array<i64: 1000, 128>}]} {
    %get3A = arith.constant 0 : index
    %get3A_0 = arith.constant 0 : index
    %get3A_1 = vector.load %arg1[%get3A, %get3A_0] : memref<1000x128xf32, #tpu.memory_space<vmem>>, vector<1000x128xf32>
    %get3A_2 = arith.constant 0 : index
    %get3A_3 = arith.constant 0 : index
    %get3A_4 = vector.load %arg2[%get3A_2, %get3A_3] : memref<1000x128xf32, #tpu.memory_space<vmem>>, vector<1000x128xf32>
    %slice3A = vector.extract_strided_slice %get3A_4 {offsets = [0, 0], sizes = [1000, 1], strides = [1, 1]} : vector<1000x128xf32> to vector<1000x1xf32>
    %gt3A = arith.constant 0.000000e+00 : f32
    %gt3A_5 = vector.broadcast %gt3A : f32 to vector<1000x1xf32>
    %gt3A_6 = arith.cmpf ogt, %slice3A, %gt3A_5 : vector<1000x1xf32>
    %max3A = arith.constant 1.000000e+00 : f32
    %max3A_7 = vector.broadcast %max3A : f32 to vector<1000x1xf32>
    %max3A_8 = arith.maximumf %slice3A, %max3A_7 : vector<1000x1xf32>
    %rsqrt3A = math.rsqrt %max3A_8 : vector<1000x1xf32>
    %jit3A = arith.constant 0.000000e+00 : f32
    %broadcast_in_dim3A = vector.broadcast %jit3A : f32 to vector<1000x1xf32>
    %select_n3A = arith.select %gt3A_6, %rsqrt3A, %broadcast_in_dim3A : vector<1000x1xi1>, vector<1000x1xf32>
    %mul3A = vector.broadcast %select_n3A : vector<1000x1xf32> to vector<1000x128xf32>
    %mul3A_9 = arith.mulf %get3A_1, %mul3A : vector<1000x128xf32>
    %get3A_10 = arith.constant 0 : index
    %get3A_11 = arith.constant 0 : index
    %get3A_12 = vector.load %arg3[%get3A_10, %get3A_11] : memref<1x128xf32, #tpu.memory_space<vmem>>, vector<1x128xf32>
    %add3A = vector.broadcast %get3A_12 : vector<1x128xf32> to vector<1000x128xf32>
    %add3A_13 = arith.addf %mul3A_9, %add3A : vector<1000x128xf32>
    %max3A_14 = arith.constant 0.000000e+00 : f32
    %max3A_15 = vector.broadcast %max3A_14 : f32 to vector<1000x128xf32>
    %max3A_16 = arith.maximumf %add3A_13, %max3A_15 : vector<1000x128xf32>
    %swap3A = arith.constant 0 : index
    %swap3A_17 = arith.constant 0 : index
    %swap3A_18 = vector.load %arg4[%swap3A, %swap3A_17] : memref<1000x128xf32, #tpu.memory_space<vmem>>, vector<1000x128xf32>
    tpu.vector_store %arg4[%swap3A, %swap3A_17], %max3A_16 {strides = array<i32>} : memref<1000x128xf32, #tpu.memory_space<vmem>>, vector<1000x128xf32>,
    return
  }
  func.func @transform_0(%arg0: i32) -> (i32, i32) {
    %c0_i32 = arith.constant 0 : i32
    %c0_i32_0 = arith.constant 0 : i32
    return %arg0, %c0_i32 : i32, i32
  }
  func.func @transform_1(%arg0: i32) -> (i32, i32) {
    %c0_i32 = arith.constant 0 : i32
    %c0_i32_0 = arith.constant 0 : i32
    return %arg0, %c0_i32 : i32, i32
  }
  func.func @transform_2(%arg0: i32) -> (i32, i32) {
    %c0_i32 = arith.constant 0 : i32
    %c0_i32_0 = arith.constant 0 : i32
    %c0_i32_1 = arith.constant 0 : i32
    return %c0_i32, %c0_i32_0 : i32, i32
  }
  func.func @transform_3(%arg0: i32) -> (i32, i32) {
    %c0_i32 = arith.constant 0 : i32
    %c0_i32_0 = arith.constant 0 : i32
    return %arg0, %c0_i32 : i32, i32
  }
}

module attributes {stable_mosaic.version = 14 : i64} {
  func.func @_mm2_body(%arg0: i32, %arg1: memref<1000x128xf32, #tpu.memory_space<vmem>>, %arg2: memref<1000x128xf32, #tpu.memory_space<vmem>>, %arg3: memref<1000x128xf32, #tpu.memory_space<vmem>>, %arg4: memref<128x128xf32, #tpu.memory_space<vmem>>, %arg5: memref<1x128xf32, #tpu.memory_space<vmem>>, %arg6: memref<1000x128xf32, #tpu.memory_space<vmem>>) attributes {dimension_semantics = [#tpu.dimension_semantics<arbitrary>], iteration_bounds = array<i64: 10>, scalar_prefetch = 0 : i64, scratch_operands = 0 : i64, tpu.core_type = #tpu.core_type<tc>, window_params = [{transform_indices = @transform_0, window_bounds = array<i64: 1000, 128>}, {transform_indices = @transform_1, window_bounds = array<i64: 1000, 128>}, {transform_indices = @transform_2, window_bounds = array<i64: 1000, 128>}, {pipeline_mode = #tpu.pipeline_mode<synchronous>, transform_indices = @transform_3, window_bounds = array<i64: 128, 128>}, {pipeline_mode = #tpu.pipeline_mode<synchronous>, transform_indices = @transform_4, window_bounds = array<i64: 1, 128>}, {transform_indices = @transform_5, window_bounds = array<i64: 1000, 128>}]} {
    %get3A = arith.constant 0 : index
    %get3A_0 = arith.constant 0 : index
    %get3A_1 = vector.load %arg1[%get3A, %get3A_0] : memref<1000x128xf32, #tpu.memory_space<vmem>>, vector<1000x128xf32>
    %get3A_2 = arith.constant 0 : index
    %get3A_3 = arith.constant 0 : index
    %get3A_4 = vector.load %arg2[%get3A_2, %get3A_3] : memref<1000x128xf32, #tpu.memory_space<vmem>>, vector<1000x128xf32>
    %slice3A = vector.extract_strided_slice %get3A_4 {offsets = [0, 0], sizes = [1000, 1], strides = [1, 1]} : vector<1000x128xf32> to vector<1000x1xf32>
    %gt3A = arith.constant 0.000000e+00 : f32
    %gt3A_5 = vector.broadcast %gt3A : f32 to vector<1000x1xf32>
    %gt3A_6 = arith.cmpf ogt, %slice3A, %gt3A_5 : vector<1000x1xf32>
    %max3A = arith.constant 1.000000e+00 : f32
    %max3A_7 = vector.broadcast %max3A : f32 to vector<1000x1xf32>
    %max3A_8 = arith.maximumf %slice3A, %max3A_7 : vector<1000x1xf32>
    %rsqrt3A = math.rsqrt %max3A_8 : vector<1000x1xf32>
    %jit3A = arith.constant 0.000000e+00 : f32
    %broadcast_in_dim3A = vector.broadcast %jit3A : f32 to vector<1000x1xf32>
    %select_n3A = arith.select %gt3A_6, %rsqrt3A, %broadcast_in_dim3A : vector<1000x1xi1>, vector<1000x1xf32>
    %mul3A = vector.broadcast %select_n3A : vector<1000x1xf32> to vector<1000x128xf32>
    %mul3A_9 = arith.mulf %get3A_1, %mul3A : vector<1000x128xf32>
    %get3A_10 = arith.constant 0 : index
    %get3A_11 = arith.constant 0 : index
    %get3A_12 = vector.load %arg5[%get3A_10, %get3A_11] : memref<1x128xf32, #tpu.memory_space<vmem>>, vector<1x128xf32>
    %add3A = vector.broadcast %get3A_12 : vector<1x128xf32> to vector<1000x128xf32>
    %add3A_13 = arith.addf %mul3A_9, %add3A : vector<1000x128xf32>
    %max3A_14 = arith.constant 0.000000e+00 : f32
    %max3A_15 = vector.broadcast %max3A_14 : f32 to vector<1000x128xf32>
    %max3A_16 = arith.maximumf %add3A_13, %max3A_15 : vector<1000x128xf32>
    %get3A_17 = arith.constant 0 : index
    %get3A_18 = arith.constant 0 : index
    %get3A_19 = vector.load %arg3[%get3A_17, %get3A_18] : memref<1000x128xf32, #tpu.memory_space<vmem>>, vector<1000x128xf32>
    %slice3A_20 = vector.extract_strided_slice %get3A_19 {offsets = [0, 0], sizes = [1000, 1], strides = [1, 1]} : vector<1000x128xf32> to vector<1000x1xf32>
    %gt3A_21 = arith.constant 0.000000e+00 : f32
    %gt3A_22 = vector.broadcast %gt3A_21 : f32 to vector<1000x1xf32>
    %gt3A_23 = arith.cmpf ogt, %slice3A_20, %gt3A_22 : vector<1000x1xf32>
    %max3A_24 = arith.constant 1.000000e+00 : f32
    %max3A_25 = vector.broadcast %max3A_24 : f32 to vector<1000x1xf32>
    %max3A_26 = arith.maximumf %slice3A_20, %max3A_25 : vector<1000x1xf32>
    %rsqrt3A_27 = math.rsqrt %max3A_26 : vector<1000x1xf32>
    %jit3A_28 = arith.constant 0.000000e+00 : f32
    %broadcast_in_dim3A_29 = vector.broadcast %jit3A_28 : f32 to vector<1000x1xf32>
    %select_n3A_30 = arith.select %gt3A_23, %rsqrt3A_27, %broadcast_in_dim3A_29 : vector<1000x1xi1>, vector<1000x1xf32>
    %mul3A_31 = vector.broadcast %select_n3A_30 : vector<1000x1xf32> to vector<1000x128xf32>
    %mul3A_32 = arith.mulf %max3A_16, %mul3A_31 : vector<1000x128xf32>
    %get3A_33 = arith.constant 0 : index
    %get3A_34 = arith.constant 0 : index
    %get3A_35 = vector.load %arg4[%get3A_33, %get3A_34] : memref<128x128xf32, #tpu.memory_space<vmem>>, vector<128x128xf32>
    %dot_general3A = arith.constant dense<0.000000e+00> : vector<1000x128xf32>
    %dot_general3A_36 = tpu.matmul %mul3A_32, %get3A_35, %dot_general3A {dimension_numbers = #tpu.dot_dimension_numbers<[1], [0], [0], [1], [0, 0, 1, 1], [], []>, transpose_lhs_hint = false} : vector<1000x128xf32>, vector<128x128xf32>, vector<1000x128xf32> -> vector<1000x128xf32>
    %swap3A = arith.constant 0 : index
    %swap3A_37 = arith.constant 0 : index
    %swap3A_38 = vector.load %arg6[%swap3A, %swap3A_37] : memref<1000x128xf32, #tpu.memory_space<vmem>>, vector<1000x128xf32>
    tpu.vector_store %arg6[%swap3A, %swap3A_37], %dot_general3A_36 {strides = array<i32>} : memref<1000x128xf32, #tpu.memory_space<vmem>>, vector<1000x128xf32>,
    return
  }
  func.func @transform_0(%arg0: i32) -> (i32, i32) {
    %c0_i32 = arith.constant 0 : i32
    %c0_i32_0 = arith.constant 0 : i32
    return %arg0, %c0_i32 : i32, i32
  }
  func.func @transform_1(%arg0: i32) -> (i32, i32) {
    %c0_i32 = arith.constant 0 : i32
    %c0_i32_0 = arith.constant 0 : i32
    return %arg0, %c0_i32 : i32, i32
  }
  func.func @transform_2(%arg0: i32) -> (i32, i32) {
    %c0_i32 = arith.constant 0 : i32
    %c0_i32_0 = arith.constant 0 : i32
    return %arg0, %c0_i32 : i32, i32
  }
  func.func @transform_3(%arg0: i32) -> (i32, i32) {
    %c0_i32 = arith.constant 0 : i32
    %c0_i32_0 = arith.constant 0 : i32
    %c0_i32_1 = arith.constant 0 : i32
    return %c0_i32, %c0_i32_0 : i32, i32
  }
  func.func @transform_4(%arg0: i32) -> (i32, i32) {
    %c0_i32 = arith.constant 0 : i32
    %c0_i32_0 = arith.constant 0 : i32
    %c0_i32_1 = arith.constant 0 : i32
    return %c0_i32, %c0_i32_0 : i32, i32
  }
  func.func @transform_5(%arg0: i32) -> (i32, i32) {
    %c0_i32 = arith.constant 0 : i32
    %c0_i32_0 = arith.constant 0 : i32
    return %arg0, %c0_i32 : i32, i32
  }
}

</mosaic_0001>

<sc_bundles>
// kernel: kernel.11.cloned.1.call-start
scs
__scs_entry_jumppad:
0x0: {  	(pc) =	sbr.rel $0x88, $3  }
0x1: {  	(tag) =	ssettag $0x0;
	lr =	simm.s32 $0x1  }
0x2: {  	[smem:$0x3F9B] =	sst lr;
	_ =	strace $0xD0000000  }
0x3: {  	_ = 	snop  }
0x4: {  	_ = 	snop  }
0x5: {  	_ = 	snop  }
0x6: {  	_ = 	snop  }
0x7: {  	_ = 	snop  }
__scs_overlays_trampoline_lowered:
0x8: {  	[smem:$0x3FAA] =	sst s0  }
0x9: {  	[smem:$0x3FAB] =	sst s1  }
0xa: {  	[smem:$0x3FAC] =	sst s2  }
0xb: {  	[smem:$0x3FAD] =	sst s3  }
0xc: {  	[smem:$0x3FAE] =	sst s4  }
0xd: {  	[smem:$0x3FAF] =	sst s5  }
0xe: {  	[smem:$0x3FB0] =	sst s6  }
0xf: {  	[smem:$0x3FB1] =	sst s7  }
0x10: {  	[smem:$0x3FB2] =	sst s8  }
0x11: {  	[smem:$0x3FB3] =	sst s9;
	s0 =	simm.s32 @!p0 $0x0  }
0x12: {  	s1 =	sld [smem:$0x3F99];
	s0 =	simm.s32 @p0 $0x1  }
0x13: {  	[smem:$0x3FB4] =	sst s0;
	s0 =	simm.s32 @!p1 $0x0  }
0x14: {  	s2 =	sld [smem:$0x3F98];
	s0 =	simm.s32 @p1 $0x1  }
0x15: {  	[smem:$0x3FB5] =	sst s0;
	s0 =	simm.s32 @!p2 $0x0  }
0x16: {  	s3 =	sld [smem:$0x3FDB];
	s0 =	simm.s32 @p2 $0x1  }
0x17: {  	s4 =	simm.s32 $0x1BF5;
	[smem:$0x3FB7] =	sst s0  }
0x18: {  	s0 =	sld [smem:$0x3F9A];
	_ =	swait.ge [sflag:s4], $0x0  }
0x19: {  	s7 =	sld [smem:$0x3F9B]  }
0x1a: {  	s8 =	sadd.s32 $0xFFFFE003, lr  }
0x1b: {  	s9 =	sadd.s32 $0xFFFFFEF7, lr;
	s5 =	simm.s32 $0xFFFFFFFF;
	p2 =	slt.u32 s8, $0xFFFFF086  }
0x1c: {  	p1 =	slt.u32 s9, $0xF7A;
	s5 =	simm.s32 @!p2 $0x0  }
0x1d: {  	s5 =	simm.s32 @p1 $0x1;
	p0 =	seq.s32 s7, s2  }
0x1e: {  	s7 =	smul.u32 @!p0 $0xF7A, s2;
	p2 =	seq.s32 @!p0 s5, $0x0  }
0x1f: {  	s9 =	smul.u32 $0xF7A, s1;
	s8 =	simm.s32 @!p0 $0x1BF5;
	p2 =	por !p2, p0  }
0x20: {  	[sflag:s8] =	ssyncset.s32 @!p0 $0xFFFFF086;
	s6 =	sadd.s32 @!p0 s3, s7;
	s7 =	simm.s32 @!p0 $0x108  }
0x21: {  	s3 =	sadd.s32 s3, s9;
	s6 =	sadd.s32 @!p0 $0x88, s6;
	s7 =	simm.s32 @p2 $0x1082  }
0x22: {  	[simem:s7], [sflag:s8] =	dma.local @!p0 [hbm:s6], $0xF7A  }
0x23: {  	s9 =	sor.u32 $0xD0000000, s2;
	s6 =	simm.s32 $0x108;
	_ =	swait.ge @!p0 [sflag:s8], $0x0  }
0x24: {  	s3 =	sadd.s32 $0x88, s3;
	s6 =	simm.s32 @!p1 $0x1082;
	[sflag:s4] =	ssyncset.s32 $0xFFFFF086  }
0x25: {  	[simem:s6], [sflag:s4] =	dma.local [hbm:s3], $0xF7A  }
0x26: {  	[smem:$0x3F9B] =	sst s1;
	(tag) =	ssettag s2;
	_ =	strace s9  }
0x27: {  	s1 =	sld [smem:$0x3FAB]  }
0x28: {  	s2 =	sld [smem:$0x3FAC]  }
0x29: {  	s4 =	sld [smem:$0x3FAE]  }
0x2a: {  	p0 =	seq.s32 s5, $0x0;
	s5 =	sld [smem:$0x3FAF]  }
0x2b: {  	s6 =	sld [smem:$0x3FB0]  }
0x2c: {  	s7 =	sld [smem:$0x3FB1]  }
0x2d: {  	s3 =	simm.s32 $0x108;
	s8 =	sld [smem:$0x3FB2]  }
0x2e: {  	s3 =	simm.s32 @!p0 $0x1082;
	s9 =	sld [smem:$0x3FB3]  }
0x2f: {  	lr =	sadd.s32 s0, s3;
	s0 =	sld [smem:$0x3FAA]  }
0x30: {  	s3 =	sld [smem:$0x3FAD]  }
0x31: {  	[smem:$0x3FB6] =	sst s10  }
0x32: {  	s10 =	sld [smem:$0x3FB4];
	_ =	sdelay $0x3  }
0x33: {  	p0 =	seq.s32 s10, $0x1;
	s10 =	sld [smem:$0x3FB6];
	_ =	sdelay $0x3  }
0x34: {  	[smem:$0x3FB6] =	sst s10  }
0x35: {  	s10 =	sld [smem:$0x3FB5];
	_ =	sdelay $0x3  }
0x36: {  	p1 =	seq.s32 s10, $0x1;
	s10 =	sld [smem:$0x3FB6];
	_ =	sdelay $0x3  }
0x37: {  	[smem:$0x3FB6] =	sst s10  }
0x38: {  	s10 =	sld [smem:$0x3FB7]  }
0x39: {  	_ = 	snop;
	(pc) =	sbr.ind lr, $3  }
0x3a: {  	_ = 	snop  }
0x3b: {  	_ = 	snop  }
0x3c: {  	p2 =	seq.s32 s10, $0x1;
	s10 =	sld [smem:$0x3FB6]  }
0x3d: {  	_ =	shalt  }
0x3e: {  	_ =	shalt  }
0x3f: {  	_ =	shalt  }
0x40: {  	_ =	shalt  }
0x41: {  	_ =	shalt  }
0x42: {  	_ =	shalt  }
0x43: {  	_ =	shalt  }
0x44: {  	_ =	shalt  }
0x45: {  	_ =	shalt  }
0x46: {  	_ =	shalt  }
0x47: {  	_ =	shalt  }
0x48: {  	_ =	shalt  }
0x49: {  	_ =	shalt  }
0x4a: {  	_ =	shalt  }
0x4b: {  	_ =	shalt  }
0x4c: {  	_ =	shalt  }
0x4d: {  	_ =	shalt  }
0x4e: {  	_ =	shalt  }
0x4f: {  	_ =	shalt  }
0x50: {  	_ =	shalt  }
0x51: {  	_ =	shalt  }
0x52: {  	_ =	shalt  }
0x53: {  	_ =	shalt  }
0x54: {  	_ =	shalt  }
0x55: {  	_ =	shalt  }
0x56: {  	_ =	shalt  }
0x57: {  	_ =	shalt  }
0x58: {  	_ =	shalt  }
0x59: {  	_ =	shalt  }
0x5a: {  	_ =	shalt  }
0x5b: {  	_ =	shalt  }
0x5c: {  	_ =	shalt  }
0x5d: {  	_ =	shalt  }
0x5e: {  	_ =	shalt  }
0x5f: {  	_ =	shalt  }
0x60: {  	_ =	shalt  }
0x61: {  	_ =	shalt  }
0x62: {  	_ =	shalt  }
0x63: {  	_ =	shalt  }
0x64: {  	_ =	shalt  }
0x65: {  	_ =	shalt  }
0x66: {  	_ =	shalt  }
0x67: {  	_ =	shalt  }
0x68: {  	_ =	shalt  }
0x69: {  	_ =	shalt  }
0x6a: {  	_ =	shalt  }
0x6b: {  	_ =	shalt  }
0x6c: {  	_ =	shalt  }
0x6d: {  	_ =	shalt  }
0x6e: {  	_ =	shalt  }
0x6f: {  	_ =	shalt  }
0x70: {  	_ =	shalt  }
0x71: {  	_ =	shalt  }
0x72: {  	_ =	shalt  }
0x73: {  	_ =	shalt  }
0x74: {  	_ =	shalt  }
0x75: {  	_ =	shalt  }
0x76: {  	_ =	shalt  }
0x77: {  	_ =	shalt  }
0x78: {  	_ =	shalt  }
0x79: {  	_ =	shalt  }
0x7a: {  	_ =	shalt  }
0x7b: {  	_ =	shalt  }
0x7c: {  	_ =	shalt  }
0x7d: {  	_ =	shalt  }
0x7e: {  	_ =	shalt  }
0x7f: {  	_ =	shalt  }
0x80: {  	_ =	shalt  }
0x81: {  	_ =	shalt  }
0x82: {  	_ =	shalt  }
0x83: {  	_ =	shalt  }
0x84: {  	_ =	shalt  }
0x85: {  	_ =	shalt  }
0x86: {  	_ =	shalt  }
0x87: {  	_ =	shalt  }
.Lfunc_end0:
.L_simem_size_0:
called_computation.1_lowered:
.L_overlay_start_0:
0x88: {  	s2 =	sld [smem:$0x3FD9]  }
0x89: {  	s3 =	sld [smem:$0x3FFE];
	_ =	sdelay $0x1  }
0x8a: {  	s1 =	srdreg.scid  }
0x8b: {  	s0 =	sand.u32 $0x1, s1  }
0x8c: {  	s17 =	sshll.u32 s0, $0xA;
	s2 =	sadd.s32 s3, s2  }
0x8d: {  	s2 =	sadd.s32 s2, s17  }
0x8e: {  	[smem:$0x3FC2] =	sst s2  }
0x8f: {  	_ = 	snop  }
0x90: {  	s2 =	sld [smem:$0x3FD0];
	(tm) =	ssettm $0x1  }
0x91: {  	s18 =	sld [smem:$0x3FFB];
	_ =	sdelay $0x3  }
0x92: {  	_ =	strace s18  }
0x93: {  	s3 =	sld [smem:$0x3FFC];
	_ =	sdelay $0x3  }
0x94: {  	_ =	strace s3  }
0x95: {  	s3 =	sld [smem:$0x3FFD];
	_ =	sdelay $0x3  }
0x96: {  	_ =	strace s3  }
0x97: {  	_ =	strace $0x8FFFFFFF  }
0x98: {  	s19 =	sld [smem:$0x3FDB];
	_ =	sdelay $0x1  }
0x99: {  	s4 =	simm.s32 $_scs_section_size  }
0x9a: {  	s5 =	simm.s32 $_size__tile_overlayer_lowered;
	s6 =	simm.s32 $_tile_overlayer_lowered  }
0x9b: {  	s22 =	simm.s32 $0x1BFF;
	s21 =	sshll.u32 s6, $0x1;
	s3 =	sadd.s32 s4, s19  }
0x9c: {  	s7 =	simm.s32 $0x0;
	s20 =	sshll.u32 s5, $0x1;
	s5 =	sadd.s32 s21, s3  }
0x9d: {  	[timem:s7], [sflag:s22] =	dma.local [hbm:s5], s20  }
0x9e: {  	_ =	swait.ge [sflag:s22], s20  }
0x9f: {  	s4 =	ssub.s32 $0x0, s20;
	[sflag:s22] =	ssyncset.done $0x0  }
0xa0: {  	[sflag:s22] =	ssyncadd.s32 s4;
	_ =	sdelay $0x1  }
0xa1: {  	s23 =	simm.s32 $0x1B8B  }
0xa2: {  	_ =	swait.ge [sflag:s23], $0x1  }
0xa3: {  	[sflag:s23] =	ssyncset.done $0x0  }
0xa4: {  	s25 =	simm.s32 $0x1B8E;
	s24 =	sld [smem:$0x3FFE];
	[sflag:s23] =	ssyncadd.s32 $0xFFFFFFFF  }
0xa5: {  	s26 =	simm.s32 $execute0_lowered;
	[smem:$0x3FD2] =	sst s25  }
0xa6: {  	s5 =	sshll.u32 s26, $0x1;
	_ =	strace $0x80000049;
	[dreg:$0x1] =	wrdreg $0xFFFFFFFF  }
0xa7: {  	s28 =	simm.s32 $_size_execute0_lowered;
	s3 =	sadd.s32 s3, s5;
	[dreg:$0x0] =	wrdreg $0x0  }
0xa8: {  	s5 =	sshll.u32 s28, $0x1;
	[dreg:$0x2] =	wrdreg s3  }
0xa9: {  	[dreg:$0x3] =	wrdreg s5  }
0xaa: {  	[dreg:$0x4] =	wrdreg $0xC0  }
0xab: {  	_ =	task [dreg:s7], $0x5FFFF  }
0xac: {  	[dreg:$0x1] =	wrdreg $0xFFFFFFFF  }
0xad: {  	[dreg:$0x0] =	wrdreg $0x60  }
0xae: {  	[dreg:$0x2] =	wrdreg s2  }
0xaf: {  	[dreg:$0x3] =	wrdreg s24  }
0xb0: {  	[dreg:$0x4] =	wrdreg $0x120000  }
0xb1: {  	[dreg:$0x5] =	wrdreg $0x9  }
0xb2: {  	_ =	task.clear_ibuf [dreg:s7], $0x6FFFF;
	_ =	strace $0x90000049  }
0xb3: {  	s29 =	simm.s32 $0x9;
	_ =	strace $0x8000004B  }
0xb4: {  	_ =	swait.ge [sflag:s29], $0x1  }
0xb5: {  	[sflag:s29] =	ssyncadd.s32 $0xFFFFFFFF  }
0xb6: {  	_ =	strace $0x9000004B  }
0xb7: {  	_ =	sfence  }
0xb8: {  	s30 =	sld [smem:$0x0];
	_ =	sdelay $0x2  }
0xb9: {  	s31 =	sshll.u32 s1, $0xD;
	s1 =	sshrl.u32 s1, $0x2  }
0xba: {  	s3 =	sand.u32 $0x4000, s31;
	s1 =	sadd.s32 s1, s30  }
0xbb: {  	s0 =	sor.u32 s3, s0;
	s1 =	sshll.u32 s1, $0x11  }
0xbc: {  	s0 =	sor.u32 s1, s0  }
0xbd: {  	s0 =	sadd.s32 $0x8F2B, s0  }
0xbe: {  	[sflag:s0] =	ssyncadd.remote.s32 $0x1  }
0xbf: {  	_ =	sfence.sel $0xFFFF  }
0xc0: {  	[dreg:$0x0] =	wrdreg $0xFFFFFFFF;
	(pc) =	sbr.abs _section_cstart, $3  }
0xc1: {  	[dreg:$0x1] =	wrdreg $0xFFFFFFFF  }
0xc2: {  	_ =	task.clear_ibuf [dreg:s7], $0x2FFFF;
	_ =	strace $0x9FFFFFFF  }
0xc3: {  	(tm) =	ssettm $0x7FFFFFFF  }
tec
execute0_lowered:
.L_overlay_start_1:
0x0: {  	(tag) =	ssettag $0x1  }
0x1: {  	s0 =	rddreg [dreg:$0x0];
	s20 =	stileid.u32  }
0x2: {  	s1 =	srdreg.scid;
	s5 =	rddreg [dreg:$0x1]  }
0x3: {  	s2 =	rddreg [dreg:$0x2];
	s3 =	simm.s32 $0x0;
	s12 =	simm.s32 $0x7D  }
0x4: {  	s13 =	simm.s32 $0xA000;
	s14 =	simm.s32 $0xE000;
	s15 =	simm.s32 $0x1  }
0x5: {  	s16 =	simm.s32 $0x2;
	s17 =	simm.s32 $0x4F80;
	s4 =	smul.u32 $0x5000, s20  }
0x6: {  	s18 =	simm.s32 $0x9F00;
	s19 =	simm.s32 $0x9F80;
	s9 =	smul.u32 $0x3E80, s20  }
0x7: {  	s6 =	sand.u32 $0x1, s1;
	s1 =	rddreg [dreg:$0x3];
	s30 =	smul.u32 $0x7D000, s20  }
0x8: {  	s22 =	simm.s32 $0x0;
	[smem:$0x7FF] =	sst s3;
	s7 =	smul.u32 $0x50000, s6  }
0x9: {  	p0 =	sne.s32 s20, $0x0;
	p1 =	sgt.u32 s20, $0x4;
	s8 =	smul.u32 $0x13880, s6  }
0xa: {  	_ =	strace $0x8000004A;
	s6 =	ssub.s32 $0x2, s6;
	s20 =	sshll.u32 @!p1 s20, $0x6  }
0xb: {  	s31 =	sshrl.u32 s6, $0x1;
	s20 =	sor.u32 @!p1 $0x1C03, s20;
	s7 =	sadd.s32 s4, s7  }
0xc: {  	s4 =	sshrl.u32 s4, $0x3;
	s8 =	sadd.s32 s9, s8;
	s11 =	ssub.s32 s6, s31  }
0xd: {  	s9 =	sshrl.u32 s30, $0x2;
	s7 =	sshrl.u32 s7, $0x3;
	s10 =	sadd.s32 s4, s5  }
0xe: {  	s4 =	sadd.s32 $0x28E00, s5;
	s8 =	sadd.s32 s8, s5;
	s21 =	sadd.s32 s9, s2  }
0xf: {  	s9 =	simm.s32 $0x3;
	s7 =	sadd.s32 s7, s5;
	s5 =	sadd.s32 $0x8AE00, s10  }
0x10: {  	s10 =	simm.s32 $0x5000;
	s21 =	sshrl.u32 @!p1 s21, $0x3;
	s6 =	sadd.s32 $0x94E00, s7  }
0x11: {  	s7 =	sadd.s32 $0xE00, s8;
	s8 =	smax.u32 s11, $0x1;
	s11 =	sshrl.u32 @!p0 s2, $0x3  }
.LBB2_1:
0x12: {  	[tilespmem:s3], [sflag:$0x3] =	stream.linear.gather [hbm4b:s5+s3], $0x5000, $0x38;
	[tilespmem:$0x1BE40] =	vst v63  }
0x13: {  	_ =	swait.ge [sflag:s9], $0x5000  }
0x14: {  	[sflag:s9] =	ssyncset.done $0x0  }
0x15: {  	[sflag:s9] =	ssyncadd.s32 $0xFFFFB000  }
0x16: {  	[tilespmem:s10], [sflag:$0x3] =	stream.linear.gather [hbm4b:s6+s3], $0x5000, $0x38;
	[tilespmem:$0x1BE40] =	vst v63  }
0x17: {  	_ =	swait.ge [sflag:s9], $0x5000  }
0x18: {  	[sflag:s9] =	ssyncset.done $0x0  }
0x19: {  	s23 =	simm.s32 @!p0 $0x1C03;
	[sflag:s9] =	ssyncadd.s32 $0xFFFFB000  }
0x1a: {  	[spmem:s11], [sflag:s23] =	dma.local @!p0 [hbm:s4], $0x13C80  }
0x1b: {  	s23 =	simm.s32 @!p0 $0x3  }
0x1c: {  	_ =	swait.ge @!p0 [sflag:s23], $0x13C80  }
0x1d: {  	[sflag:s23] =	ssyncset.done @!p0 $0x0  }
0x1e: {  	[sflag:s23] =	ssyncadd.s32 @!p0 $0xFFFEC380  }
0x1f: {  	[bflag:$0x0] =	sbarrier.arrive $0xFFFF  }
0x20: {  	[tilespmem:s13], [sflag:$0x1] =	stream.indirect.gather [hbm4b:s0+s12], $0x80, s3, s12, $0xb8;
	[tilespmem:$0x1BE40] =	vst v63  }
0x21: {  	s28 =	simm.s32 $0x80  }
0x22: {  	[tilespmem:s14], [sflag:$0x2] =	stream.indirect.gather [hbm4b:s0+s12], $0x80, s28, s12, $0xb8;
	[tilespmem:$0x1BE40] =	vst v63  }
0x23: {  	_ =	swait.ge [sflag:s15], $0x3E80  }
0x24: {  	[sflag:s15] =	ssyncset.done $0x0  }
0x25: {  	s29 =	simm.s32 $0x5000;
	[sflag:s15] =	ssyncadd.s32 $0xFFFFC180  }
0x26: {  	[spmem:s2] =	stream.indirect.scatter.add.f32 [tilespmem:s13], [sflag:$0x3], $0x80, s29, s12, $0xb8;
	[tilespmem:$0x1BE40] =	vst v63  }
0x27: {  	_ =	swait.ge [sflag:s9], $0x3E80  }
0x28: {  	[sflag:s9] =	ssyncset.done $0x0  }
0x29: {  	s30 =	simm.s32 $0x100;
	[sflag:s9] =	ssyncadd.s32 $0xFFFFC180  }
0x2a: {  	[tilespmem:s13], [sflag:$0x1] =	stream.indirect.gather [hbm4b:s0+s12], $0x80, s30, s12, $0xb8;
	[tilespmem:$0x1BE40] =	vst v63  }
0x2b: {  	_ =	swait.ge [sflag:s16], $0x3E80  }
0x2c: {  	[sflag:s16] =	ssyncset.done $0x0  }
0x2d: {  	s31 =	simm.s32 $0x5080;
	[sflag:s16] =	ssyncadd.s32 $0xFFFFC180  }
0x2e: {  	[spmem:s2] =	stream.indirect.scatter.add.f32 [tilespmem:s14], [sflag:$0x3], $0x80, s31, s12, $0xb8;
	[tilespmem:$0x1BE40] =	vst v63  }
0x2f: {  	_ =	swait.ge [sflag:s9], $0x3E80  }
0x30: {  	s24 =	simm.s32 $0x800;
	s23 =	simm.s32 $0x100;
	[sflag:s9] =	ssyncset.done $0x0  }
.LBB2_2:
0x31: {  	s25 =	sadd.s32 $0x80, s23  }
0x32: {  	[sflag:s9] =	ssyncadd.s32 $0xFFFFC180;
	s26 =	smov.u32 s24;
	s28 =	sadd.s32 $0x400, s24  }
0x33: {  	[tilespmem:s14], [sflag:$0x2] =	stream.indirect.gather [hbm4b:s0+s12], $0x80, s25, s12, $0xb8;
	[tilespmem:$0x1BE40] =	vst v63  }
0x34: {  	p2 =	sne.s32 s24, $0x13800;
	_ =	swait.ge [sflag:s15], $0x3E80  }
0x35: {  	[sflag:s15] =	ssyncset.done $0x0  }
0x36: {  	s24 =	sadd.s32 $0x5000, s23;
	[sflag:s15] =	ssyncadd.s32 $0xFFFFC180  }
0x37: {  	[spmem:s2] =	stream.indirect.scatter.add.f32 [tilespmem:s13], [sflag:$0x3], $0x80, s24, s12, $0xb8;
	[tilespmem:$0x1BE40] =	vst v63  }
0x38: {  	_ =	swait.ge [sflag:s9], $0x3E80  }
0x39: {  	[sflag:s9] =	ssyncset.done $0x0  }
0x3a: {  	s24 =	sadd.s32 $0x100, s23;
	[sflag:s9] =	ssyncadd.s32 $0xFFFFC180  }
0x3b: {  	[tilespmem:s13], [sflag:$0x1] =	stream.indirect.gather [hbm4b:s0+s12], $0x80, s24, s12, $0xb8;
	[tilespmem:$0x1BE40] =	vst v63  }
0x3c: {  	_ =	swait.ge [sflag:s16], $0x3E80  }
.Ltmp0:
0x3d: {  	[sflag:s16] =	ssyncset.done $0x0;
	(pc) =	sbr.rel @p2 .LBB2_2-.Ltmp0, $4  }
0x3e: {  	s23 =	sadd.s32 $0x5080, s23;
	[sflag:s16] =	ssyncadd.s32 $0xFFFFC180  }
0x3f: {  	[spmem:s2] =	stream.indirect.scatter.add.f32 [tilespmem:s14], [sflag:$0x3], $0x80, s23, s12, $0xb8;
	[tilespmem:$0x1BE40] =	vst v63  }
0x40: {  	_ =	swait.ge [sflag:s9], $0x3E80  }
0x41: {  	s24 =	smov.u32 s28;
	s23 =	sshra.s32 s26, $0x2;
	[sflag:s9] =	ssyncset.done $0x0  }
0x42: {  	s24 =	sadd.s32 $0x80, s23;
	[sflag:s9] =	ssyncadd.s32 $0xFFFFC180  }
0x43: {  	[tilespmem:s14], [sflag:$0x2] =	stream.indirect.gather [hbm4b:s0+s12], $0x80, s24, s12, $0xb8;
	[tilespmem:$0x1BE40] =	vst v63  }
0x44: {  	_ =	swait.ge [sflag:s15], $0x3E80  }
0x45: {  	[sflag:s15] =	ssyncset.done $0x0  }
0x46: {  	s29 =	sadd.s32 $0x5000, s23;
	[sflag:s15] =	ssyncadd.s32 $0xFFFFC180  }
0x47: {  	[spmem:s2] =	stream.indirect.scatter.add.f32 [tilespmem:s13], [sflag:$0x3], $0x80, s29, s12, $0xb8;
	[tilespmem:$0x1BE40] =	vst v63  }
0x48: {  	_ =	swait.ge [sflag:s9], $0x3E80  }
0x49: {  	[sflag:s9] =	ssyncset.done $0x0  }
0x4a: {  	s30 =	sadd.s32 $0x100, s23;
	[sflag:s9] =	ssyncadd.s32 $0xFFFFC180  }
0x4b: {  	[tilespmem:s13], [sflag:$0x1] =	stream.indirect.gather [hbm4b:s0+s12], $0x80, s30, s12, $0xb8;
	[tilespmem:$0x1BE40] =	vst v63  }
0x4c: {  	_ =	swait.ge [sflag:s16], $0x3E80  }
0x4d: {  	[sflag:s16] =	ssyncset.done $0x0  }
0x4e: {  	s31 =	sadd.s32 $0x5080, s23;
	[sflag:s16] =	ssyncadd.s32 $0xFFFFC180  }
0x4f: {  	[spmem:s2] =	stream.indirect.scatter.add.f32 [tilespmem:s14], [sflag:$0x3], $0x80, s31, s12, $0xb8;
	[tilespmem:$0x1BE40] =	vst v63  }
0x50: {  	_ =	swait.ge [sflag:s9], $0x3E80  }
0x51: {  	[sflag:s9] =	ssyncset.done $0x0  }
0x52: {  	[sflag:s9] =	ssyncadd.s32 $0xFFFFC180  }
0x53: {  	[tilespmem:s14], [sflag:$0x2] =	stream.indirect.gather [hbm4b:s0+s12], $0x80, s17, s12, $0xb8;
	[tilespmem:$0x1BE40] =	vst v63  }
0x54: {  	_ =	swait.ge [sflag:s15], $0x3E80  }
0x55: {  	[sflag:s15] =	ssyncset.done $0x0  }
0x56: {  	[sflag:s15] =	ssyncadd.s32 $0xFFFFC180  }
0x57: {  	[spmem:s2] =	stream.indirect.scatter.add.f32 [tilespmem:s13], [sflag:$0x3], $0x80, s18, s12, $0xb8;
	[tilespmem:$0x1BE40] =	vst v63  }
0x58: {  	_ =	swait.ge [sflag:s9], $0x3E80  }
0x59: {  	[sflag:s9] =	ssyncset.done $0x0  }
0x5a: {  	[sflag:s9] =	ssyncadd.s32 $0xFFFFC180  }
0x5b: {  	_ =	swait.ge [sflag:s16], $0x3E80  }
0x5c: {  	[sflag:s16] =	ssyncset.done $0x0  }
0x5d: {  	[sflag:s16] =	ssyncadd.s32 $0xFFFFC180  }
0x5e: {  	[spmem:s2] =	stream.indirect.scatter.add.f32 [tilespmem:s14], [sflag:$0x3], $0x80, s19, s12, $0xb8;
	[tilespmem:$0x1BE40] =	vst v63  }
0x5f: {  	_ =	swait.ge [sflag:s9], $0x3E80  }
0x60: {  	s22 =	sadd.s32 $0x1, s22;
	[sflag:s9] =	ssyncset.done $0x0  }
0x61: {  	p2 =	sne.s32 s22, s8;
	[sflag:s9] =	ssyncadd.s32 $0xFFFFC180  }
.Ltmp1:
0x62: {  	s23 =	simm.s32 @!p1 $0x3;
	[bflag:$0x0] =	sbarrier.arrive $0xFFFF;
	(pc) =	sbr.rel @p2 .LBB2_1-.Ltmp1, $4  }
0x63: {  	[hbm:s7], [sflag:s20] =	dma.local @!p1 [spmem:s21], $0x3E80  }
0x64: {  	_ =	swait.ge @!p1 [sflag:s23], $0x3E80  }
0x65: {  	[sflag:s23] =	ssyncset.done @!p1 $0x0  }
0x66: {  	[sflag:s23] =	ssyncadd.s32 @!p1 $0xFFFFC180  }
0x67: {  	_ =	sfence.sel $0x180000  }
0x68: {  	[bflag:$0x0] =	sbarrier.arrive $0xFFFF  }
0x69: {  	_ =	strace $0x9000004A  }
0x6a: {  	s0 =	sadd.s32 @!p0 $0x100000, s1;
	[bflag:$0x2] =	sbarrier.arrive $0xFFFF  }
0x6b: {  	[sflag:s0] =	ssyncadd.tile.s32 @!p0 $0x1;
	_ =	shalt  }
.Lfunc_end2:
_tile_overlayer_lowered:
.L_overlay_start_2:
0x6c: {  	(tag) =	ssettag $0x2  }
0x6d: {  	s0 =	rddreg [dreg:$0x0];
	s2 =	stileid.u32  }
0x6e: {  	s1 =	rddreg [dreg:$0x1];
	p0 =	sne.s32 s2, $0x0  }
0x6f: {  	s3 =	rddreg [dreg:$0x2];
	[bflag:$0x3] =	sbarrier.arrive $0xFFFF;
	s2 =	simm.s32 @!p0 $0x1C03  }
0x70: {  	[timem:s3], [sflag:s2] =	dma.local @!p0 [hbm:s0], s1  }
0x71: {  	s0 =	simm.s32 @!p0 $0x3  }
0x72: {  	_ =	swait.ge @!p0 [sflag:s0], s1  }
0x73: {  	s1 =	ssub.s32 @!p0 $0x0, s1;
	[sflag:s0] =	ssyncset.done @!p0 $0x0  }
0x74: {  	[sflag:s0] =	ssyncadd.s32 @!p0 s1  }
0x75: {  	[bflag:$0x3] =	sbarrier.arrive $0xFFFF  }
0x76: {  	_ =	shalt  }

// kernel: kernel.14.cloned.1.call-start
scs
__scs_entry_jumppad:
0x0: {  	(pc) =	sbr.rel $0x88, $3  }
0x1: {  	(tag) =	ssettag $0x0;
	lr =	simm.s32 $0x1  }
0x2: {  	[smem:$0x3F9B] =	sst lr;
	_ =	strace $0xD0000000  }
0x3: {  	_ = 	snop  }
0x4: {  	_ = 	snop  }
0x5: {  	_ = 	snop  }
0x6: {  	_ = 	snop  }
0x7: {  	_ = 	snop  }
__scs_overlays_trampoline_lowered:
0x8: {  	[smem:$0x3FAA] =	sst s0  }
0x9: {  	[smem:$0x3FAB] =	sst s1  }
0xa: {  	[smem:$0x3FAC] =	sst s2  }
0xb: {  	[smem:$0x3FAD] =	sst s3  }
0xc: {  	[smem:$0x3FAE] =	sst s4  }
0xd: {  	[smem:$0x3FAF] =	sst s5  }
0xe: {  	[smem:$0x3FB0] =	sst s6  }
0xf: {  	[smem:$0x3FB1] =	sst s7  }
0x10: {  	[smem:$0x3FB2] =	sst s8  }
0x11: {  	[smem:$0x3FB3] =	sst s9;
	s0 =	simm.s32 @!p0 $0x0  }
0x12: {  	s1 =	sld [smem:$0x3F99];
	s0 =	simm.s32 @p0 $0x1  }
0x13: {  	[smem:$0x3FB4] =	sst s0;
	s0 =	simm.s32 @!p1 $0x0  }
0x14: {  	s2 =	sld [smem:$0x3F98];
	s0 =	simm.s32 @p1 $0x1  }
0x15: {  	[smem:$0x3FB5] =	sst s0;
	s0 =	simm.s32 @!p2 $0x0  }
0x16: {  	s3 =	sld [smem:$0x3FDB];
	s0 =	simm.s32 @p2 $0x1  }
0x17: {  	s4 =	simm.s32 $0x1BF5;
	[smem:$0x3FB7] =	sst s0  }
0x18: {  	s0 =	sld [smem:$0x3F9A];
	_ =	swait.ge [sflag:s4], $0x0  }
0x19: {  	s7 =	sld [smem:$0x3F9B]  }
0x1a: {  	s8 =	sadd.s32 $0xFFFFE003, lr  }
0x1b: {  	s9 =	sadd.s32 $0xFFFFFEF7, lr;
	s5 =	simm.s32 $0xFFFFFFFF;
	p2 =	slt.u32 s8, $0xFFFFF086  }
0x1c: {  	p1 =	slt.u32 s9, $0xF7A;
	s5 =	simm.s32 @!p2 $0x0  }
0x1d: {  	s5 =	simm.s32 @p1 $0x1;
	p0 =	seq.s32 s7, s2  }
0x1e: {  	s7 =	smul.u32 @!p0 $0xF7A, s2;
	p2 =	seq.s32 @!p0 s5, $0x0  }
0x1f: {  	s9 =	smul.u32 $0xF7A, s1;
	s8 =	simm.s32 @!p0 $0x1BF5;
	p2 =	por !p2, p0  }
0x20: {  	[sflag:s8] =	ssyncset.s32 @!p0 $0xFFFFF086;
	s6 =	sadd.s32 @!p0 s3, s7;
	s7 =	simm.s32 @!p0 $0x108  }
0x21: {  	s3 =	sadd.s32 s3, s9;
	s6 =	sadd.s32 @!p0 $0x88, s6;
	s7 =	simm.s32 @p2 $0x1082  }
0x22: {  	[simem:s7], [sflag:s8] =	dma.local @!p0 [hbm:s6], $0xF7A  }
0x23: {  	s9 =	sor.u32 $0xD0000000, s2;
	s6 =	simm.s32 $0x108;
	_ =	swait.ge @!p0 [sflag:s8], $0x0  }
0x24: {  	s3 =	sadd.s32 $0x88, s3;
	s6 =	simm.s32 @!p1 $0x1082;
	[sflag:s4] =	ssyncset.s32 $0xFFFFF086  }
0x25: {  	[simem:s6], [sflag:s4] =	dma.local [hbm:s3], $0xF7A  }
0x26: {  	[smem:$0x3F9B] =	sst s1;
	(tag) =	ssettag s2;
	_ =	strace s9  }
0x27: {  	s1 =	sld [smem:$0x3FAB]  }
0x28: {  	s2 =	sld [smem:$0x3FAC]  }
0x29: {  	s4 =	sld [smem:$0x3FAE]  }
0x2a: {  	p0 =	seq.s32 s5, $0x0;
	s5 =	sld [smem:$0x3FAF]  }
0x2b: {  	s6 =	sld [smem:$0x3FB0]  }
0x2c: {  	s7 =	sld [smem:$0x3FB1]  }
0x2d: {  	s3 =	simm.s32 $0x108;
	s8 =	sld [smem:$0x3FB2]  }
0x2e: {  	s3 =	simm.s32 @!p0 $0x1082;
	s9 =	sld [smem:$0x3FB3]  }
0x2f: {  	lr =	sadd.s32 s0, s3;
	s0 =	sld [smem:$0x3FAA]  }
0x30: {  	s3 =	sld [smem:$0x3FAD]  }
0x31: {  	[smem:$0x3FB6] =	sst s10  }
0x32: {  	s10 =	sld [smem:$0x3FB4];
	_ =	sdelay $0x3  }
0x33: {  	p0 =	seq.s32 s10, $0x1;
	s10 =	sld [smem:$0x3FB6];
	_ =	sdelay $0x3  }
0x34: {  	[smem:$0x3FB6] =	sst s10  }
0x35: {  	s10 =	sld [smem:$0x3FB5];
	_ =	sdelay $0x3  }
0x36: {  	p1 =	seq.s32 s10, $0x1;
	s10 =	sld [smem:$0x3FB6];
	_ =	sdelay $0x3  }
0x37: {  	[smem:$0x3FB6] =	sst s10  }
0x38: {  	s10 =	sld [smem:$0x3FB7]  }
0x39: {  	_ = 	snop;
	(pc) =	sbr.ind lr, $3  }
0x3a: {  	_ = 	snop  }
0x3b: {  	_ = 	snop  }
0x3c: {  	p2 =	seq.s32 s10, $0x1;
	s10 =	sld [smem:$0x3FB6]  }
0x3d: {  	_ =	shalt  }
0x3e: {  	_ =	shalt  }
0x3f: {  	_ =	shalt  }
0x40: {  	_ =	shalt  }
0x41: {  	_ =	shalt  }
0x42: {  	_ =	shalt  }
0x43: {  	_ =	shalt  }
0x44: {  	_ =	shalt  }
0x45: {  	_ =	shalt  }
0x46: {  	_ =	shalt  }
0x47: {  	_ =	shalt  }
0x48: {  	_ =	shalt  }
0x49: {  	_ =	shalt  }
0x4a: {  	_ =	shalt  }
0x4b: {  	_ =	shalt  }
0x4c: {  	_ =	shalt  }
0x4d: {  	_ =	shalt  }
0x4e: {  	_ =	shalt  }
0x4f: {  	_ =	shalt  }
0x50: {  	_ =	shalt  }
0x51: {  	_ =	shalt  }
0x52: {  	_ =	shalt  }
0x53: {  	_ =	shalt  }
0x54: {  	_ =	shalt  }
0x55: {  	_ =	shalt  }
0x56: {  	_ =	shalt  }
0x57: {  	_ =	shalt  }
0x58: {  	_ =	shalt  }
0x59: {  	_ =	shalt  }
0x5a: {  	_ =	shalt  }
0x5b: {  	_ =	shalt  }
0x5c: {  	_ =	shalt  }
0x5d: {  	_ =	shalt  }
0x5e: {  	_ =	shalt  }
0x5f: {  	_ =	shalt  }
0x60: {  	_ =	shalt  }
0x61: {  	_ =	shalt  }
0x62: {  	_ =	shalt  }
0x63: {  	_ =	shalt  }
0x64: {  	_ =	shalt  }
0x65: {  	_ =	shalt  }
0x66: {  	_ =	shalt  }
0x67: {  	_ =	shalt  }
0x68: {  	_ =	shalt  }
0x69: {  	_ =	shalt  }
0x6a: {  	_ =	shalt  }
0x6b: {  	_ =	shalt  }
0x6c: {  	_ =	shalt  }
0x6d: {  	_ =	shalt  }
0x6e: {  	_ =	shalt  }
0x6f: {  	_ =	shalt  }
0x70: {  	_ =	shalt  }
0x71: {  	_ =	shalt  }
0x72: {  	_ =	shalt  }
0x73: {  	_ =	shalt  }
0x74: {  	_ =	shalt  }
0x75: {  	_ =	shalt  }
0x76: {  	_ =	shalt  }
0x77: {  	_ =	shalt  }
0x78: {  	_ =	shalt  }
0x79: {  	_ =	shalt  }
0x7a: {  	_ =	shalt  }
0x7b: {  	_ =	shalt  }
0x7c: {  	_ =	shalt  }
0x7d: {  	_ =	shalt  }
0x7e: {  	_ =	shalt  }
0x7f: {  	_ =	shalt  }
0x80: {  	_ =	shalt  }
0x81: {  	_ =	shalt  }
0x82: {  	_ =	shalt  }
0x83: {  	_ =	shalt  }
0x84: {  	_ =	shalt  }
0x85: {  	_ =	shalt  }
0x86: {  	_ =	shalt  }
0x87: {  	_ =	shalt  }
.Lfunc_end0:
.L_simem_size_0:
called_computation.2_lowered:
.L_overlay_start_0:
0x88: {  	s2 =	sld [smem:$0x3FD9]  }
0x89: {  	s3 =	sld [smem:$0x3FFE];
	_ =	sdelay $0x1  }
0x8a: {  	s1 =	srdreg.scid  }
0x8b: {  	s0 =	sand.u32 $0x1, s1  }
0x8c: {  	s17 =	sshll.u32 s0, $0xA;
	s2 =	sadd.s32 s3, s2  }
0x8d: {  	s2 =	sadd.s32 s2, s17  }
0x8e: {  	[smem:$0x3FC2] =	sst s2  }
0x8f: {  	_ = 	snop  }
0x90: {  	s2 =	sld [smem:$0x3FD0];
	(tm) =	ssettm $0x1  }
0x91: {  	s18 =	sld [smem:$0x3FFB];
	_ =	sdelay $0x3  }
0x92: {  	_ =	strace s18  }
0x93: {  	s3 =	sld [smem:$0x3FFC];
	_ =	sdelay $0x3  }
0x94: {  	_ =	strace s3  }
0x95: {  	s3 =	sld [smem:$0x3FFD];
	_ =	sdelay $0x3  }
0x96: {  	_ =	strace s3  }
0x97: {  	_ =	strace $0x8FFFFFFF  }
0x98: {  	s19 =	sld [smem:$0x3FDB];
	_ =	sdelay $0x1  }
0x99: {  	s4 =	simm.s32 $_scs_section_size  }
0x9a: {  	s5 =	simm.s32 $_size__tile_overlayer_lowered;
	s6 =	simm.s32 $_tile_overlayer_lowered  }
0x9b: {  	s22 =	simm.s32 $0x1BFF;
	s21 =	sshll.u32 s6, $0x1;
	s3 =	sadd.s32 s4, s19  }
0x9c: {  	s7 =	simm.s32 $0x0;
	s20 =	sshll.u32 s5, $0x1;
	s5 =	sadd.s32 s21, s3  }
0x9d: {  	[timem:s7], [sflag:s22] =	dma.local [hbm:s5], s20  }
0x9e: {  	_ =	swait.ge [sflag:s22], s20  }
0x9f: {  	s4 =	ssub.s32 $0x0, s20;
	[sflag:s22] =	ssyncset.done $0x0  }
0xa0: {  	[sflag:s22] =	ssyncadd.s32 s4;
	_ =	sdelay $0x1  }
0xa1: {  	s23 =	simm.s32 $0x1B8B  }
0xa2: {  	_ =	swait.ge [sflag:s23], $0x1  }
0xa3: {  	[sflag:s23] =	ssyncset.done $0x0  }
0xa4: {  	s25 =	simm.s32 $0x1B8E;
	s24 =	sld [smem:$0x3FFE];
	[sflag:s23] =	ssyncadd.s32 $0xFFFFFFFF  }
0xa5: {  	s26 =	simm.s32 $execute0_lowered;
	[smem:$0x3FD2] =	sst s25  }
0xa6: {  	s5 =	sshll.u32 s26, $0x1;
	_ =	strace $0x8000004C;
	[dreg:$0x1] =	wrdreg $0xFFFFFFFF  }
0xa7: {  	s28 =	simm.s32 $_size_execute0_lowered;
	s3 =	sadd.s32 s3, s5;
	[dreg:$0x0] =	wrdreg $0x0  }
0xa8: {  	s5 =	sshll.u32 s28, $0x1;
	[dreg:$0x2] =	wrdreg s3  }
0xa9: {  	[dreg:$0x3] =	wrdreg s5  }
0xaa: {  	[dreg:$0x4] =	wrdreg $0xC0  }
0xab: {  	_ =	task [dreg:s7], $0x5FFFF  }
0xac: {  	[dreg:$0x1] =	wrdreg $0xFFFFFFFF  }
0xad: {  	[dreg:$0x0] =	wrdreg $0x60  }
0xae: {  	[dreg:$0x2] =	wrdreg s2  }
0xaf: {  	[dreg:$0x3] =	wrdreg s24  }
0xb0: {  	[dreg:$0x4] =	wrdreg $0x120000  }
0xb1: {  	[dreg:$0x5] =	wrdreg $0x9  }
0xb2: {  	_ =	task.clear_ibuf [dreg:s7], $0x6FFFF;
	_ =	strace $0x9000004C  }
0xb3: {  	s29 =	simm.s32 $0x9;
	_ =	strace $0x8000004E  }
0xb4: {  	_ =	swait.ge [sflag:s29], $0x1  }
0xb5: {  	[sflag:s29] =	ssyncadd.s32 $0xFFFFFFFF  }
0xb6: {  	_ =	strace $0x9000004E  }
0xb7: {  	_ =	sfence  }
0xb8: {  	s30 =	sld [smem:$0x0];
	_ =	sdelay $0x2  }
0xb9: {  	s31 =	sshll.u32 s1, $0xD;
	s1 =	sshrl.u32 s1, $0x2  }
0xba: {  	s3 =	sand.u32 $0x4000, s31;
	s1 =	sadd.s32 s1, s30  }
0xbb: {  	s0 =	sor.u32 s3, s0;
	s1 =	sshll.u32 s1, $0x11  }
0xbc: {  	s0 =	sor.u32 s1, s0  }
0xbd: {  	s0 =	sadd.s32 $0x8F2B, s0  }
0xbe: {  	[sflag:s0] =	ssyncadd.remote.s32 $0x1  }
0xbf: {  	_ =	sfence.sel $0xFFFF  }
0xc0: {  	[dreg:$0x0] =	wrdreg $0xFFFFFFFF;
	(pc) =	sbr.abs _section_cstart, $3  }
0xc1: {  	[dreg:$0x1] =	wrdreg $0xFFFFFFFF  }
0xc2: {  	_ =	task.clear_ibuf [dreg:s7], $0x2FFFF;
	_ =	strace $0x9FFFFFFF  }
0xc3: {  	(tm) =	ssettm $0x7FFFFFFF  }
tec
execute0_lowered:
.L_overlay_start_1:
0x0: {  	(tag) =	ssettag $0x1  }
0x1: {  	s0 =	rddreg [dreg:$0x0];
	s20 =	stileid.u32  }
0x2: {  	s1 =	srdreg.scid;
	s5 =	rddreg [dreg:$0x1]  }
0x3: {  	s2 =	rddreg [dreg:$0x2];
	s3 =	simm.s32 $0x0;
	s12 =	simm.s32 $0x7D  }
0x4: {  	s13 =	simm.s32 $0xA000;
	s14 =	simm.s32 $0xE000;
	s15 =	simm.s32 $0x1  }
0x5: {  	s16 =	simm.s32 $0x2;
	s17 =	simm.s32 $0x4F80;
	s4 =	smul.u32 $0x5000, s20  }
0x6: {  	s18 =	simm.s32 $0x9F00;
	s19 =	simm.s32 $0x9F80;
	s9 =	smul.u32 $0x3E80, s20  }
0x7: {  	s6 =	sand.u32 $0x1, s1;
	s1 =	rddreg [dreg:$0x3];
	s30 =	smul.u32 $0x7D000, s20  }
0x8: {  	s22 =	simm.s32 $0x0;
	[smem:$0x7FF] =	sst s3;
	s7 =	smul.u32 $0x50000, s6  }
0x9: {  	p0 =	sne.s32 s20, $0x0;
	p1 =	sgt.u32 s20, $0x4;
	s8 =	smul.u32 $0x13880, s6  }
0xa: {  	_ =	strace $0x8000004D;
	s6 =	ssub.s32 $0x2, s6;
	s20 =	sshll.u32 @!p1 s20, $0x6  }
0xb: {  	s31 =	sshrl.u32 s6, $0x1;
	s20 =	sor.u32 @!p1 $0x1C03, s20;
	s7 =	sadd.s32 s4, s7  }
0xc: {  	s4 =	sshrl.u32 s4, $0x3;
	s8 =	sadd.s32 s9, s8;
	s11 =	ssub.s32 s6, s31  }
0xd: {  	s9 =	sshrl.u32 s30, $0x2;
	s7 =	sshrl.u32 s7, $0x3;
	s10 =	sadd.s32 s4, s5  }
0xe: {  	s4 =	sadd.s32 $0x28E00, s5;
	s8 =	sadd.s32 s8, s5;
	s21 =	sadd.s32 s9, s2  }
0xf: {  	s9 =	simm.s32 $0x3;
	s7 =	sadd.s32 s7, s5;
	s5 =	sadd.s32 $0x8AE00, s10  }
0x10: {  	s10 =	simm.s32 $0x5000;
	s21 =	sshrl.u32 @!p1 s21, $0x3;
	s6 =	sadd.s32 $0x94E00, s7  }
0x11: {  	s7 =	sadd.s32 $0xE00, s8;
	s8 =	smax.u32 s11, $0x1;
	s11 =	sshrl.u32 @!p0 s2, $0x3  }
.LBB2_1:
0x12: {  	[tilespmem:s3], [sflag:$0x3] =	stream.linear.gather [hbm4b:s5+s3], $0x5000, $0x38;
	[tilespmem:$0x1BE40] =	vst v63  }
0x13: {  	_ =	swait.ge [sflag:s9], $0x5000  }
0x14: {  	[sflag:s9] =	ssyncset.done $0x0  }
0x15: {  	[sflag:s9] =	ssyncadd.s32 $0xFFFFB000  }
0x16: {  	[tilespmem:s10], [sflag:$0x3] =	stream.linear.gather [hbm4b:s6+s3], $0x5000, $0x38;
	[tilespmem:$0x1BE40] =	vst v63  }
0x17: {  	_ =	swait.ge [sflag:s9], $0x5000  }
0x18: {  	[sflag:s9] =	ssyncset.done $0x0  }
0x19: {  	s23 =	simm.s32 @!p0 $0x1C03;
	[sflag:s9] =	ssyncadd.s32 $0xFFFFB000  }
0x1a: {  	[spmem:s11], [sflag:s23] =	dma.local @!p0 [hbm:s4], $0x13C80  }
0x1b: {  	s23 =	simm.s32 @!p0 $0x3  }
0x1c: {  	_ =	swait.ge @!p0 [sflag:s23], $0x13C80  }
0x1d: {  	[sflag:s23] =	ssyncset.done @!p0 $0x0  }
0x1e: {  	[sflag:s23] =	ssyncadd.s32 @!p0 $0xFFFEC380  }
0x1f: {  	[bflag:$0x0] =	sbarrier.arrive $0xFFFF  }
0x20: {  	[tilespmem:s13], [sflag:$0x1] =	stream.indirect.gather [hbm4b:s0+s12], $0x80, s3, s12, $0xb8;
	[tilespmem:$0x1BE40] =	vst v63  }
0x21: {  	s28 =	simm.s32 $0x80  }
0x22: {  	[tilespmem:s14], [sflag:$0x2] =	stream.indirect.gather [hbm4b:s0+s12], $0x80, s28, s12, $0xb8;
	[tilespmem:$0x1BE40] =	vst v63  }
0x23: {  	_ =	swait.ge [sflag:s15], $0x3E80  }
0x24: {  	[sflag:s15] =	ssyncset.done $0x0  }
0x25: {  	s29 =	simm.s32 $0x5000;
	[sflag:s15] =	ssyncadd.s32 $0xFFFFC180  }
0x26: {  	[spmem:s2] =	stream.indirect.scatter.add.f32 [tilespmem:s13], [sflag:$0x3], $0x80, s29, s12, $0xb8;
	[tilespmem:$0x1BE40] =	vst v63  }
0x27: {  	_ =	swait.ge [sflag:s9], $0x3E80  }
0x28: {  	[sflag:s9] =	ssyncset.done $0x0  }
0x29: {  	s30 =	simm.s32 $0x100;
	[sflag:s9] =	ssyncadd.s32 $0xFFFFC180  }
0x2a: {  	[tilespmem:s13], [sflag:$0x1] =	stream.indirect.gather [hbm4b:s0+s12], $0x80, s30, s12, $0xb8;
	[tilespmem:$0x1BE40] =	vst v63  }
0x2b: {  	_ =	swait.ge [sflag:s16], $0x3E80  }
0x2c: {  	[sflag:s16] =	ssyncset.done $0x0  }
0x2d: {  	s31 =	simm.s32 $0x5080;
	[sflag:s16] =	ssyncadd.s32 $0xFFFFC180  }
0x2e: {  	[spmem:s2] =	stream.indirect.scatter.add.f32 [tilespmem:s14], [sflag:$0x3], $0x80, s31, s12, $0xb8;
	[tilespmem:$0x1BE40] =	vst v63  }
0x2f: {  	_ =	swait.ge [sflag:s9], $0x3E80  }
0x30: {  	s24 =	simm.s32 $0x800;
	s23 =	simm.s32 $0x100;
	[sflag:s9] =	ssyncset.done $0x0  }
.LBB2_2:
0x31: {  	s25 =	sadd.s32 $0x80, s23  }
0x32: {  	[sflag:s9] =	ssyncadd.s32 $0xFFFFC180;
	s26 =	smov.u32 s24;
	s28 =	sadd.s32 $0x400, s24  }
0x33: {  	[tilespmem:s14], [sflag:$0x2] =	stream.indirect.gather [hbm4b:s0+s12], $0x80, s25, s12, $0xb8;
	[tilespmem:$0x1BE40] =	vst v63  }
0x34: {  	p2 =	sne.s32 s24, $0x13800;
	_ =	swait.ge [sflag:s15], $0x3E80  }
0x35: {  	[sflag:s15] =	ssyncset.done $0x0  }
0x36: {  	s24 =	sadd.s32 $0x5000, s23;
	[sflag:s15] =	ssyncadd.s32 $0xFFFFC180  }
0x37: {  	[spmem:s2] =	stream.indirect.scatter.add.f32 [tilespmem:s13], [sflag:$0x3], $0x80, s24, s12, $0xb8;
	[tilespmem:$0x1BE40] =	vst v63  }
0x38: {  	_ =	swait.ge [sflag:s9], $0x3E80  }
0x39: {  	[sflag:s9] =	ssyncset.done $0x0  }
0x3a: {  	s24 =	sadd.s32 $0x100, s23;
	[sflag:s9] =	ssyncadd.s32 $0xFFFFC180  }
0x3b: {  	[tilespmem:s13], [sflag:$0x1] =	stream.indirect.gather [hbm4b:s0+s12], $0x80, s24, s12, $0xb8;
	[tilespmem:$0x1BE40] =	vst v63  }
0x3c: {  	_ =	swait.ge [sflag:s16], $0x3E80  }
.Ltmp0:
0x3d: {  	[sflag:s16] =	ssyncset.done $0x0;
	(pc) =	sbr.rel @p2 .LBB2_2-.Ltmp0, $4  }
0x3e: {  	s23 =	sadd.s32 $0x5080, s23;
	[sflag:s16] =	ssyncadd.s32 $0xFFFFC180  }
0x3f: {  	[spmem:s2] =	stream.indirect.scatter.add.f32 [tilespmem:s14], [sflag:$0x3], $0x80, s23, s12, $0xb8;
	[tilespmem:$0x1BE40] =	vst v63  }
0x40: {  	_ =	swait.ge [sflag:s9], $0x3E80  }
0x41: {  	s24 =	smov.u32 s28;
	s23 =	sshra.s32 s26, $0x2;
	[sflag:s9] =	ssyncset.done $0x0  }
0x42: {  	s24 =	sadd.s32 $0x80, s23;
	[sflag:s9] =	ssyncadd.s32 $0xFFFFC180  }
0x43: {  	[tilespmem:s14], [sflag:$0x2] =	stream.indirect.gather [hbm4b:s0+s12], $0x80, s24, s12, $0xb8;
	[tilespmem:$0x1BE40] =	vst v63  }
0x44: {  	_ =	swait.ge [sflag:s15], $0x3E80  }
0x45: {  	[sflag:s15] =	ssyncset.done $0x0  }
0x46: {  	s29 =	sadd.s32 $0x5000, s23;
	[sflag:s15] =	ssyncadd.s32 $0xFFFFC180  }
0x47: {  	[spmem:s2] =	stream.indirect.scatter.add.f32 [tilespmem:s13], [sflag:$0x3], $0x80, s29, s12, $0xb8;
	[tilespmem:$0x1BE40] =	vst v63  }
0x48: {  	_ =	swait.ge [sflag:s9], $0x3E80  }
0x49: {  	[sflag:s9] =	ssyncset.done $0x0  }
0x4a: {  	s30 =	sadd.s32 $0x100, s23;
	[sflag:s9] =	ssyncadd.s32 $0xFFFFC180  }
0x4b: {  	[tilespmem:s13], [sflag:$0x1] =	stream.indirect.gather [hbm4b:s0+s12], $0x80, s30, s12, $0xb8;
	[tilespmem:$0x1BE40] =	vst v63  }
0x4c: {  	_ =	swait.ge [sflag:s16], $0x3E80  }
0x4d: {  	[sflag:s16] =	ssyncset.done $0x0  }
0x4e: {  	s31 =	sadd.s32 $0x5080, s23;
	[sflag:s16] =	ssyncadd.s32 $0xFFFFC180  }
0x4f: {  	[spmem:s2] =	stream.indirect.scatter.add.f32 [tilespmem:s14], [sflag:$0x3], $0x80, s31, s12, $0xb8;
	[tilespmem:$0x1BE40] =	vst v63  }
0x50: {  	_ =	swait.ge [sflag:s9], $0x3E80  }
0x51: {  	[sflag:s9] =	ssyncset.done $0x0  }
0x52: {  	[sflag:s9] =	ssyncadd.s32 $0xFFFFC180  }
0x53: {  	[tilespmem:s14], [sflag:$0x2] =	stream.indirect.gather [hbm4b:s0+s12], $0x80, s17, s12, $0xb8;
	[tilespmem:$0x1BE40] =	vst v63  }
0x54: {  	_ =	swait.ge [sflag:s15], $0x3E80  }
0x55: {  	[sflag:s15] =	ssyncset.done $0x0  }
0x56: {  	[sflag:s15] =	ssyncadd.s32 $0xFFFFC180  }
0x57: {  	[spmem:s2] =	stream.indirect.scatter.add.f32 [tilespmem:s13], [sflag:$0x3], $0x80, s18, s12, $0xb8;
	[tilespmem:$0x1BE40] =	vst v63  }
0x58: {  	_ =	swait.ge [sflag:s9], $0x3E80  }
0x59: {  	[sflag:s9] =	ssyncset.done $0x0  }
0x5a: {  	[sflag:s9] =	ssyncadd.s32 $0xFFFFC180  }
0x5b: {  	_ =	swait.ge [sflag:s16], $0x3E80  }
0x5c: {  	[sflag:s16] =	ssyncset.done $0x0  }
0x5d: {  	[sflag:s16] =	ssyncadd.s32 $0xFFFFC180  }
0x5e: {  	[spmem:s2] =	stream.indirect.scatter.add.f32 [tilespmem:s14], [sflag:$0x3], $0x80, s19, s12, $0xb8;
	[tilespmem:$0x1BE40] =	vst v63  }
0x5f: {  	_ =	swait.ge [sflag:s9], $0x3E80  }
0x60: {  	s22 =	sadd.s32 $0x1, s22;
	[sflag:s9] =	ssyncset.done $0x0  }
0x61: {  	p2 =	sne.s32 s22, s8;
	[sflag:s9] =	ssyncadd.s32 $0xFFFFC180  }
.Ltmp1:
0x62: {  	s23 =	simm.s32 @!p1 $0x3;
	[bflag:$0x0] =	sbarrier.arrive $0xFFFF;
	(pc) =	sbr.rel @p2 .LBB2_1-.Ltmp1, $4  }
0x63: {  	[hbm:s7], [sflag:s20] =	dma.local @!p1 [spmem:s21], $0x3E80  }
0x64: {  	_ =	swait.ge @!p1 [sflag:s23], $0x3E80  }
0x65: {  	[sflag:s23] =	ssyncset.done @!p1 $0x0  }
0x66: {  	[sflag:s23] =	ssyncadd.s32 @!p1 $0xFFFFC180  }
0x67: {  	_ =	sfence.sel $0x180000  }
0x68: {  	[bflag:$0x0] =	sbarrier.arrive $0xFFFF  }
0x69: {  	_ =	strace $0x9000004D  }
0x6a: {  	s0 =	sadd.s32 @!p0 $0x100000, s1;
	[bflag:$0x2] =	sbarrier.arrive $0xFFFF  }
0x6b: {  	[sflag:s0] =	ssyncadd.tile.s32 @!p0 $0x1;
	_ =	shalt  }
.Lfunc_end2:
_tile_overlayer_lowered:
.L_overlay_start_2:
0x6c: {  	(tag) =	ssettag $0x2  }
0x6d: {  	s0 =	rddreg [dreg:$0x0];
	s2 =	stileid.u32  }
0x6e: {  	s1 =	rddreg [dreg:$0x1];
	p0 =	sne.s32 s2, $0x0  }
0x6f: {  	s3 =	rddreg [dreg:$0x2];
	[bflag:$0x3] =	sbarrier.arrive $0xFFFF;
	s2 =	simm.s32 @!p0 $0x1C03  }
0x70: {  	[timem:s3], [sflag:s2] =	dma.local @!p0 [hbm:s0], s1  }
0x71: {  	s0 =	simm.s32 @!p0 $0x3  }
0x72: {  	_ =	swait.ge @!p0 [sflag:s0], s1  }
0x73: {  	s1 =	ssub.s32 @!p0 $0x0, s1;
	[sflag:s0] =	ssyncset.done @!p0 $0x0  }
0x74: {  	[sflag:s0] =	ssyncadd.s32 @!p0 s1  }
0x75: {  	[bflag:$0x3] =	sbarrier.arrive $0xFFFF  }
0x76: {  	_ =	shalt  }

// kernel: kernel.8.cloned.1.call-start
scs
__scs_entry_jumppad:
0x0: {  	(pc) =	sbr.rel $0x88, $3  }
0x1: {  	(tag) =	ssettag $0x0;
	lr =	simm.s32 $0x1  }
0x2: {  	[smem:$0x3F9B] =	sst lr;
	_ =	strace $0xD0000000  }
0x3: {  	_ = 	snop  }
0x4: {  	_ = 	snop  }
0x5: {  	_ = 	snop  }
0x6: {  	_ = 	snop  }
0x7: {  	_ = 	snop  }
__scs_overlays_trampoline_lowered:
0x8: {  	[smem:$0x3FAA] =	sst s0  }
0x9: {  	[smem:$0x3FAB] =	sst s1  }
0xa: {  	[smem:$0x3FAC] =	sst s2  }
0xb: {  	[smem:$0x3FAD] =	sst s3  }
0xc: {  	[smem:$0x3FAE] =	sst s4  }
0xd: {  	[smem:$0x3FAF] =	sst s5  }
0xe: {  	[smem:$0x3FB0] =	sst s6  }
0xf: {  	[smem:$0x3FB1] =	sst s7  }
0x10: {  	[smem:$0x3FB2] =	sst s8  }
0x11: {  	[smem:$0x3FB3] =	sst s9;
	s0 =	simm.s32 @!p0 $0x0  }
0x12: {  	s1 =	sld [smem:$0x3F99];
	s0 =	simm.s32 @p0 $0x1  }
0x13: {  	[smem:$0x3FB4] =	sst s0;
	s0 =	simm.s32 @!p1 $0x0  }
0x14: {  	s2 =	sld [smem:$0x3F98];
	s0 =	simm.s32 @p1 $0x1  }
0x15: {  	[smem:$0x3FB5] =	sst s0;
	s0 =	simm.s32 @!p2 $0x0  }
0x16: {  	s3 =	sld [smem:$0x3FDB];
	s0 =	simm.s32 @p2 $0x1  }
0x17: {  	s4 =	simm.s32 $0x1BF5;
	[smem:$0x3FB7] =	sst s0  }
0x18: {  	s0 =	sld [smem:$0x3F9A];
	_ =	swait.ge [sflag:s4], $0x0  }
0x19: {  	s7 =	sld [smem:$0x3F9B]  }
0x1a: {  	s8 =	sadd.s32 $0xFFFFE003, lr  }
0x1b: {  	s9 =	sadd.s32 $0xFFFFFEF7, lr;
	s5 =	simm.s32 $0xFFFFFFFF;
	p2 =	slt.u32 s8, $0xFFFFF086  }
0x1c: {  	p1 =	slt.u32 s9, $0xF7A;
	s5 =	simm.s32 @!p2 $0x0  }
0x1d: {  	s5 =	simm.s32 @p1 $0x1;
	p0 =	seq.s32 s7, s2  }
0x1e: {  	s7 =	smul.u32 @!p0 $0xF7A, s2;
	p2 =	seq.s32 @!p0 s5, $0x0  }
0x1f: {  	s9 =	smul.u32 $0xF7A, s1;
	s8 =	simm.s32 @!p0 $0x1BF5;
	p2 =	por !p2, p0  }
0x20: {  	[sflag:s8] =	ssyncset.s32 @!p0 $0xFFFFF086;
	s6 =	sadd.s32 @!p0 s3, s7;
	s7 =	simm.s32 @!p0 $0x108  }
0x21: {  	s3 =	sadd.s32 s3, s9;
	s6 =	sadd.s32 @!p0 $0x88, s6;
	s7 =	simm.s32 @p2 $0x1082  }
0x22: {  	[simem:s7], [sflag:s8] =	dma.local @!p0 [hbm:s6], $0xF7A  }
0x23: {  	s9 =	sor.u32 $0xD0000000, s2;
	s6 =	simm.s32 $0x108;
	_ =	swait.ge @!p0 [sflag:s8], $0x0  }
0x24: {  	s3 =	sadd.s32 $0x88, s3;
	s6 =	simm.s32 @!p1 $0x1082;
	[sflag:s4] =	ssyncset.s32 $0xFFFFF086  }
0x25: {  	[simem:s6], [sflag:s4] =	dma.local [hbm:s3], $0xF7A  }
0x26: {  	[smem:$0x3F9B] =	sst s1;
	(tag) =	ssettag s2;
	_ =	strace s9  }
0x27: {  	s1 =	sld [smem:$0x3FAB]  }
0x28: {  	s2 =	sld [smem:$0x3FAC]  }
0x29: {  	s4 =	sld [smem:$0x3FAE]  }
0x2a: {  	p0 =	seq.s32 s5, $0x0;
	s5 =	sld [smem:$0x3FAF]  }
0x2b: {  	s6 =	sld [smem:$0x3FB0]  }
0x2c: {  	s7 =	sld [smem:$0x3FB1]  }
0x2d: {  	s3 =	simm.s32 $0x108;
	s8 =	sld [smem:$0x3FB2]  }
0x2e: {  	s3 =	simm.s32 @!p0 $0x1082;
	s9 =	sld [smem:$0x3FB3]  }
0x2f: {  	lr =	sadd.s32 s0, s3;
	s0 =	sld [smem:$0x3FAA]  }
0x30: {  	s3 =	sld [smem:$0x3FAD]  }
0x31: {  	[smem:$0x3FB6] =	sst s10  }
0x32: {  	s10 =	sld [smem:$0x3FB4];
	_ =	sdelay $0x3  }
0x33: {  	p0 =	seq.s32 s10, $0x1;
	s10 =	sld [smem:$0x3FB6];
	_ =	sdelay $0x3  }
0x34: {  	[smem:$0x3FB6] =	sst s10  }
0x35: {  	s10 =	sld [smem:$0x3FB5];
	_ =	sdelay $0x3  }
0x36: {  	p1 =	seq.s32 s10, $0x1;
	s10 =	sld [smem:$0x3FB6];
	_ =	sdelay $0x3  }
0x37: {  	[smem:$0x3FB6] =	sst s10  }
0x38: {  	s10 =	sld [smem:$0x3FB7]  }
0x39: {  	_ = 	snop;
	(pc) =	sbr.ind lr, $3  }
0x3a: {  	_ = 	snop  }
0x3b: {  	_ = 	snop  }
0x3c: {  	p2 =	seq.s32 s10, $0x1;
	s10 =	sld [smem:$0x3FB6]  }
0x3d: {  	_ =	shalt  }
0x3e: {  	_ =	shalt  }
0x3f: {  	_ =	shalt  }
0x40: {  	_ =	shalt  }
0x41: {  	_ =	shalt  }
0x42: {  	_ =	shalt  }
0x43: {  	_ =	shalt  }
0x44: {  	_ =	shalt  }
0x45: {  	_ =	shalt  }
0x46: {  	_ =	shalt  }
0x47: {  	_ =	shalt  }
0x48: {  	_ =	shalt  }
0x49: {  	_ =	shalt  }
0x4a: {  	_ =	shalt  }
0x4b: {  	_ =	shalt  }
0x4c: {  	_ =	shalt  }
0x4d: {  	_ =	shalt  }
0x4e: {  	_ =	shalt  }
0x4f: {  	_ =	shalt  }
0x50: {  	_ =	shalt  }
0x51: {  	_ =	shalt  }
0x52: {  	_ =	shalt  }
0x53: {  	_ =	shalt  }
0x54: {  	_ =	shalt  }
0x55: {  	_ =	shalt  }
0x56: {  	_ =	shalt  }
0x57: {  	_ =	shalt  }
0x58: {  	_ =	shalt  }
0x59: {  	_ =	shalt  }
0x5a: {  	_ =	shalt  }
0x5b: {  	_ =	shalt  }
0x5c: {  	_ =	shalt  }
0x5d: {  	_ =	shalt  }
0x5e: {  	_ =	shalt  }
0x5f: {  	_ =	shalt  }
0x60: {  	_ =	shalt  }
0x61: {  	_ =	shalt  }
0x62: {  	_ =	shalt  }
0x63: {  	_ =	shalt  }
0x64: {  	_ =	shalt  }
0x65: {  	_ =	shalt  }
0x66: {  	_ =	shalt  }
0x67: {  	_ =	shalt  }
0x68: {  	_ =	shalt  }
0x69: {  	_ =	shalt  }
0x6a: {  	_ =	shalt  }
0x6b: {  	_ =	shalt  }
0x6c: {  	_ =	shalt  }
0x6d: {  	_ =	shalt  }
0x6e: {  	_ =	shalt  }
0x6f: {  	_ =	shalt  }
0x70: {  	_ =	shalt  }
0x71: {  	_ =	shalt  }
0x72: {  	_ =	shalt  }
0x73: {  	_ =	shalt  }
0x74: {  	_ =	shalt  }
0x75: {  	_ =	shalt  }
0x76: {  	_ =	shalt  }
0x77: {  	_ =	shalt  }
0x78: {  	_ =	shalt  }
0x79: {  	_ =	shalt  }
0x7a: {  	_ =	shalt  }
0x7b: {  	_ =	shalt  }
0x7c: {  	_ =	shalt  }
0x7d: {  	_ =	shalt  }
0x7e: {  	_ =	shalt  }
0x7f: {  	_ =	shalt  }
0x80: {  	_ =	shalt  }
0x81: {  	_ =	shalt  }
0x82: {  	_ =	shalt  }
0x83: {  	_ =	shalt  }
0x84: {  	_ =	shalt  }
0x85: {  	_ =	shalt  }
0x86: {  	_ =	shalt  }
0x87: {  	_ =	shalt  }
.Lfunc_end0:
.L_simem_size_0:
called_computation_lowered:
.L_overlay_start_0:
0x88: {  	s2 =	sld [smem:$0x3FD9]  }
0x89: {  	s3 =	sld [smem:$0x3FFE];
	_ =	sdelay $0x1  }
0x8a: {  	s1 =	srdreg.scid  }
0x8b: {  	s0 =	sand.u32 $0x1, s1  }
0x8c: {  	s17 =	sshll.u32 s0, $0xA;
	s2 =	sadd.s32 s3, s2  }
0x8d: {  	s2 =	sadd.s32 s2, s17  }
0x8e: {  	[smem:$0x3FC2] =	sst s2  }
0x8f: {  	_ = 	snop  }
0x90: {  	s2 =	sld [smem:$0x3FD0];
	(tm) =	ssettm $0x1  }
0x91: {  	s18 =	sld [smem:$0x3FFB];
	_ =	sdelay $0x3  }
0x92: {  	_ =	strace s18  }
0x93: {  	s3 =	sld [smem:$0x3FFC];
	_ =	sdelay $0x3  }
0x94: {  	_ =	strace s3  }
0x95: {  	s3 =	sld [smem:$0x3FFD];
	_ =	sdelay $0x3  }
0x96: {  	_ =	strace s3  }
0x97: {  	_ =	strace $0x8FFFFFFF  }
0x98: {  	s19 =	sld [smem:$0x3FDB];
	_ =	sdelay $0x1  }
0x99: {  	s4 =	simm.s32 $_scs_section_size  }
0x9a: {  	s5 =	simm.s32 $_size__tile_overlayer_lowered;
	s6 =	simm.s32 $_tile_overlayer_lowered  }
0x9b: {  	s22 =	simm.s32 $0x1BFF;
	s21 =	sshll.u32 s6, $0x1;
	s3 =	sadd.s32 s4, s19  }
0x9c: {  	s7 =	simm.s32 $0x0;
	s20 =	sshll.u32 s5, $0x1;
	s5 =	sadd.s32 s21, s3  }
0x9d: {  	[timem:s7], [sflag:s22] =	dma.local [hbm:s5], s20  }
0x9e: {  	_ =	swait.ge [sflag:s22], s20  }
0x9f: {  	s4 =	ssub.s32 $0x0, s20;
	[sflag:s22] =	ssyncset.done $0x0  }
0xa0: {  	[sflag:s22] =	ssyncadd.s32 s4;
	_ =	sdelay $0x1  }
0xa1: {  	s23 =	simm.s32 $0x1B8B  }
0xa2: {  	_ =	swait.ge [sflag:s23], $0x1  }
0xa3: {  	[sflag:s23] =	ssyncset.done $0x0  }
0xa4: {  	s25 =	simm.s32 $0x1B8E;
	s24 =	sld [smem:$0x3FFE];
	[sflag:s23] =	ssyncadd.s32 $0xFFFFFFFF  }
0xa5: {  	s26 =	simm.s32 $execute0_lowered;
	[smem:$0x3FD2] =	sst s25  }
0xa6: {  	s5 =	sshll.u32 s26, $0x1;
	_ =	strace $0x80000046;
	[dreg:$0x1] =	wrdreg $0xFFFFFFFF  }
0xa7: {  	s28 =	simm.s32 $_size_execute0_lowered;
	s3 =	sadd.s32 s3, s5;
	[dreg:$0x0] =	wrdreg $0x0  }
0xa8: {  	s5 =	sshll.u32 s28, $0x1;
	[dreg:$0x2] =	wrdreg s3  }
0xa9: {  	[dreg:$0x3] =	wrdreg s5  }
0xaa: {  	[dreg:$0x4] =	wrdreg $0xC0  }
0xab: {  	_ =	task [dreg:s7], $0x5FFFF  }
0xac: {  	[dreg:$0x1] =	wrdreg $0xFFFFFFFF  }
0xad: {  	[dreg:$0x0] =	wrdreg $0x60  }
0xae: {  	[dreg:$0x2] =	wrdreg s24  }
0xaf: {  	[dreg:$0x3] =	wrdreg s2  }
0xb0: {  	[dreg:$0x4] =	wrdreg $0xE0000  }
0xb1: {  	[dreg:$0x5] =	wrdreg $0x9  }
0xb2: {  	_ =	task.clear_ibuf [dreg:s7], $0x6FFFF;
	_ =	strace $0x90000046  }
0xb3: {  	s29 =	simm.s32 $0x9;
	_ =	strace $0x80000048  }
0xb4: {  	_ =	swait.ge [sflag:s29], $0x1  }
0xb5: {  	[sflag:s29] =	ssyncadd.s32 $0xFFFFFFFF  }
0xb6: {  	_ =	strace $0x90000048  }
0xb7: {  	_ =	sfence  }
0xb8: {  	s30 =	sld [smem:$0x0];
	_ =	sdelay $0x2  }
0xb9: {  	s31 =	sshll.u32 s1, $0xD;
	s1 =	sshrl.u32 s1, $0x2  }
0xba: {  	s3 =	sand.u32 $0x4000, s31;
	s1 =	sadd.s32 s1, s30  }
0xbb: {  	s0 =	sor.u32 s3, s0;
	s1 =	sshll.u32 s1, $0x11  }
0xbc: {  	s0 =	sor.u32 s1, s0  }
0xbd: {  	s0 =	sadd.s32 $0x8F2B, s0  }
0xbe: {  	[sflag:s0] =	ssyncadd.remote.s32 $0x1  }
0xbf: {  	_ =	sfence.sel $0xFFFF  }
0xc0: {  	[dreg:$0x0] =	wrdreg $0xFFFFFFFF;
	(pc) =	sbr.abs _section_cstart, $3  }
0xc1: {  	[dreg:$0x1] =	wrdreg $0xFFFFFFFF  }
0xc2: {  	_ =	task.clear_ibuf [dreg:s7], $0x2FFFF;
	_ =	strace $0x9FFFFFFF  }
0xc3: {  	(tm) =	ssettm $0x7FFFFFFF  }
tec
execute0_lowered:
.L_overlay_start_1:
0x0: {  	(tag) =	ssettag $0x1  }
0x1: {  	s5 =	rddreg [dreg:$0x0];
	s1 =	srdreg.scid  }
0x2: {  	s0 =	rddreg [dreg:$0x1];
	s18 =	stileid.u32  }
0x3: {  	s2 =	rddreg [dreg:$0x2];
	s3 =	simm.s32 $0x0;
	s7 =	smul.u32 $0x5000, s18  }
0x4: {  	s14 =	simm.s32 $0x7D;
	s20 =	simm.s32 $0x0;
	s8 =	smul.u32 $0x3E80, s18  }
0x5: {  	s6 =	sand.u32 $0x1, s1;
	s1 =	rddreg [dreg:$0x3];
	s10 =	smul.u32 $0x7D000, s18  }
0x6: {  	[smem:$0x7FF] =	sst s3;
	p0 =	sne.s32 s18, $0x0;
	s4 =	smul.u32 $0x50000, s6  }
0x7: {  	p1 =	slt.u32 s18, $0x5;
	p3 =	sgt.u32 s18, $0x4;
	s29 =	smul.u32 $0x13880, s6  }
0x8: {  	_ =	strace $0x80000047;
	s6 =	ssub.s32 $0x2, s6;
	s13 =	sshrl.u32 @!p0 s2, $0x3  }
0x9: {  	p2 =	sne.s32 @p1 s18, $0x0;
	s15 =	sshll.u32 @p1 s18, $0x6;
	s18 =	sshll.u32 @!p3 s18, $0x6  }
0xa: {  	s30 =	sshrl.u32 s6, $0x1;
	s31 =	sshrl.u32 s10, $0x2;
	s10 =	simm.s32 $0x1  }
0xb: {  	s15 =	sor.u32 @p1 $0x1C01, s15;
	p2 =	por p2, !p1;
	s18 =	sor.u32 @!p3 $0x1C01, s18  }
0xc: {  	s4 =	sadd.s32 s7, s4;
	s7 =	sadd.s32 s8, s29;
	s12 =	ssub.s32 s6, s30  }
0xd: {  	s19 =	sadd.s32 s31, s2;
	s17 =	sshrl.u32 @!p2 s2, $0x3;
	s4 =	sshrl.u32 s4, $0x3  }
0xe: {  	s11 =	sadd.s32 s7, s5;
	s16 =	sshrl.u32 @p1 s19, $0x3;
	s19 =	sshrl.u32 @!p3 s19, $0x3  }
0xf: {  	s9 =	sadd.s32 s4, s5;
	s4 =	sadd.s32 $0x28E00, s5;
	s7 =	sadd.s32 $0x3CC00, s11  }
0x10: {  	s8 =	sadd.s32 $0x63D00, s11;
	s11 =	simm.s32 $0x5000;
	s5 =	sadd.s32 $0xE00, s9  }
0x11: {  	s6 =	sadd.s32 $0x14E00, s9;
	s9 =	smax.u32 s12, $0x1;
	s12 =	simm.s32 $0xA000  }
.LBB2_1:
0x12: {  	[tilespmem:s3], [sflag:$0x1] =	stream.linear.gather [hbm4b:s5+s3], $0x5000, $0x38;
	[tilespmem:$0x17E40] =	vst v63  }
0x13: {  	_ =	swait.ge [sflag:s10], $0x5000  }
0x14: {  	[sflag:s10] =	ssyncset.done $0x0  }
0x15: {  	[sflag:s10] =	ssyncadd.s32 $0xFFFFB000  }
0x16: {  	[tilespmem:s11], [sflag:$0x1] =	stream.linear.gather [hbm4b:s6+s3], $0x5000, $0x38;
	[tilespmem:$0x17E40] =	vst v63  }
0x17: {  	_ =	swait.ge [sflag:s10], $0x5000  }
0x18: {  	[sflag:s10] =	ssyncset.done $0x0  }
0x19: {  	[sflag:s10] =	ssyncadd.s32 $0xFFFFB000  }
0x1a: {  	[tilespmem:s12], [sflag:$0x1] =	stream.linear.gather [hbm4b:s0+s3], $0x3E80, $0x38;
	[tilespmem:$0x17E40] =	vst v63  }
0x1b: {  	_ =	swait.ge [sflag:s10], $0x3E80  }
0x1c: {  	[sflag:s10] =	ssyncset.done $0x0  }
0x1d: {  	s21 =	simm.s32 @!p0 $0x1C01;
	[sflag:s10] =	ssyncadd.s32 $0xFFFFC180  }
0x1e: {  	[spmem:s13], [sflag:s21] =	dma.local @!p0 [hbm:s4], $0x13C80  }
0x1f: {  	s21 =	simm.s32 @!p0 $0x1  }
0x20: {  	_ =	swait.ge @!p0 [sflag:s21], $0x13C80  }
0x21: {  	[sflag:s21] =	ssyncset.done @!p0 $0x0  }
0x22: {  	[sflag:s21] =	ssyncadd.s32 @!p0 $0xFFFEC380  }
0x23: {  	s31 =	simm.s32 $0x0;
	[bflag:$0x0] =	sbarrier.arrive $0xFFFF  }
0x24: {  	[spmem:s2] =	stream.indirect.scatter.add.f32 [tilespmem:s12], [sflag:$0x1], $0x80, s31, s14, $0xb8;
	[tilespmem:$0x17E40] =	vst v63  }
0x25: {  	_ =	swait.ge [sflag:s10], $0x3E80  }
0x26: {  	s21 =	simm.s32 $0x200;
	[sflag:s10] =	ssyncset.done $0x0  }
.LBB2_2:
0x27: {  	s22 =	sshra.s32 s21, $0x2;
	[sflag:s10] =	ssyncadd.s32 $0xFFFFC180;
	p4 =	sne.s32 s21, $0x13E00  }
0x28: {  	[spmem:s2] =	stream.indirect.scatter.add.f32 [tilespmem:s12], [sflag:$0x1], $0x80, s22, s14, $0xb8;
	[tilespmem:$0x17E40] =	vst v63  }
.Ltmp0:
0x29: {  	_ = 	snop;
	(pc) =	sbr.rel @p4 .LBB2_2-.Ltmp0, $4  }
0x2a: {  	_ = 	snop  }
0x2b: {  	s21 =	sadd.s32 $0x200, s21  }
0x2c: {  	_ =	swait.ge [sflag:s10], $0x3E80  }
0x2d: {  	[sflag:s10] =	ssyncset.done $0x0  }
0x2e: {  	[sflag:s10] =	ssyncadd.s32 $0xFFFFC180  }
0x2f: {  	s21 =	simm.s32 @p1 $0x1;
	[bflag:$0x0] =	sbarrier.arrive $0xFFFF  }
0x30: {  	[hbm:s7], [sflag:s15] =	dma.local @p1 [spmem:s16], $0x3E80  }
0x31: {  	_ =	swait.ge @p1 [sflag:s21], $0x3E80  }
0x32: {  	[sflag:s21] =	ssyncset.done @p1 $0x0  }
0x33: {  	[sflag:s21] =	ssyncadd.s32 @p1 $0xFFFFC180  }
0x34: {  	s21 =	simm.s32 @!p2 $0x1C01;
	[bflag:$0x0] =	sbarrier.arrive @p1 $0xFFFF  }
0x35: {  	[spmem:s17], [sflag:s21] =	dma.local @!p2 [hbm:s4], $0x13C80  }
0x36: {  	s21 =	simm.s32 @!p2 $0x1  }
0x37: {  	_ =	swait.ge @!p2 [sflag:s21], $0x13C80  }
0x38: {  	[sflag:s21] =	ssyncset.done @!p2 $0x0  }
0x39: {  	[sflag:s21] =	ssyncadd.s32 @!p2 $0xFFFEC380  }
0x3a: {  	[bflag:$0x0] =	sbarrier.arrive @!p1 $0xFFFF  }
0x3b: {  	s31 =	simm.s32 $0x5000;
	[bflag:$0x0] =	sbarrier.arrive $0xFFFF  }
0x3c: {  	[spmem:s2] =	stream.indirect.scatter.add.f32 [tilespmem:s12], [sflag:$0x1], $0x80, s31, s14, $0xb8;
	[tilespmem:$0x17E40] =	vst v63  }
0x3d: {  	s21 =	simm.s32 $0x200;
	_ =	swait.ge [sflag:s10], $0x3E80  }
.LBB2_4:
0x3e: {  	s22 =	sshra.s32 s21, $0x2;
	[sflag:s10] =	ssyncset.done $0x0;
	p4 =	sne.s32 s21, $0x13E00  }
.Ltmp1:
0x3f: {  	s22 =	sadd.s32 $0x5000, s22;
	[sflag:s10] =	ssyncadd.s32 $0xFFFFC180;
	(pc) =	sbr.rel @p4 .LBB2_4-.Ltmp1, $3  }
0x40: {  	[spmem:s2] =	stream.indirect.scatter.add.f32 [tilespmem:s12], [sflag:$0x1], $0x80, s22, s14, $0xb8;
	[tilespmem:$0x17E40] =	vst v63  }
0x41: {  	s21 =	sadd.s32 $0x200, s21;
	_ =	sdelay $0x1  }
0x42: {  	_ =	swait.ge [sflag:s10], $0x3E80  }
0x43: {  	[sflag:s10] =	ssyncset.done $0x0  }
0x44: {  	s20 =	sadd.s32 $0x1, s20;
	[sflag:s10] =	ssyncadd.s32 $0xFFFFC180  }
0x45: {  	s21 =	simm.s32 @!p3 $0x1;
	p4 =	sne.s32 s20, s9;
	[bflag:$0x0] =	sbarrier.arrive $0xFFFF  }
0x46: {  	[hbm:s8], [sflag:s18] =	dma.local @!p3 [spmem:s19], $0x3E80  }
.Ltmp2:
0x47: {  	_ =	swait.ge @!p3 [sflag:s21], $0x3E80;
	(pc) =	sbr.rel @p4 .LBB2_1-.Ltmp2, $3  }
0x48: {  	[sflag:s21] =	ssyncset.done @!p3 $0x0  }
0x49: {  	[sflag:s21] =	ssyncadd.s32 @!p3 $0xFFFFC180  }
0x4a: {  	[bflag:$0x0] =	sbarrier.arrive $0xFFFF;
	_ =	sdelay $0x1  }
0x4b: {  	_ =	sfence.sel $0x180000  }
0x4c: {  	[bflag:$0x0] =	sbarrier.arrive $0xFFFF  }
0x4d: {  	_ =	strace $0x90000047  }
0x4e: {  	s0 =	sadd.s32 @!p0 $0x100000, s1;
	[bflag:$0x2] =	sbarrier.arrive $0xFFFF  }
0x4f: {  	[sflag:s0] =	ssyncadd.tile.s32 @!p0 $0x1;
	_ =	shalt  }
.Lfunc_end2:
_tile_overlayer_lowered:
.L_overlay_start_2:
0x50: {  	(tag) =	ssettag $0x2  }
0x51: {  	s0 =	rddreg [dreg:$0x0];
	s2 =	stileid.u32  }
0x52: {  	s1 =	rddreg [dreg:$0x1];
	p0 =	sne.s32 s2, $0x0  }
0x53: {  	s3 =	rddreg [dreg:$0x2];
	[bflag:$0x3] =	sbarrier.arrive $0xFFFF;
	s2 =	simm.s32 @!p0 $0x1C01  }
0x54: {  	[timem:s3], [sflag:s2] =	dma.local @!p0 [hbm:s0], s1  }
0x55: {  	s0 =	simm.s32 @!p0 $0x1  }
0x56: {  	_ =	swait.ge @!p0 [sflag:s0], s1  }
0x57: {  	s1 =	ssub.s32 @!p0 $0x0, s1;
	[sflag:s0] =	ssyncset.done @!p0 $0x0  }
0x58: {  	[sflag:s0] =	ssyncadd.s32 @!p0 s1  }
0x59: {  	[bflag:$0x3] =	sbarrier.arrive $0xFFFF  }
0x5a: {  	_ =	shalt  }

</sc_bundles>
